<compile_context>
chip_gen: v7x
topology: tpu7x:2x2x1
jax: 0.10.2.dev20260603
libtpu: 0.0.44.dev20260713+nightly
codegen_flags: <defaults>
</compile_context>

<pallas_src>
import functools

import jax
import jax.numpy as jnp
from jax import lax
from jax.experimental import pallas as pl
from jax.experimental.pallas import tpu as pltpu
from jax.experimental.pallas import tpu_sc as plsc

M = 320000
C_S = 128
NUM_SEGMENTS = 10000

NC = 2
NS = 16

LCH = 200
SCH = 100
SUB = LCH // SCH
GCH = M // LCH
NMYMAX = 104
IDXROWS = 2 * NMYMAX
IDXPAD = 3456
SEG_HALF = 5120
SEG_HPAD = 5248
STRIPE = SEG_HPAD // NS

def _sc_segment_sum_body(s_hbm, clidx_hbm, bounds_hbm, z_hbm, sums_hbm,
                         buf0, buf1, idx_v, bnd_v, acc, lsem0, lsem1, ssem):
    c = lax.axis_index("c")
    sid = lax.axis_index("s")

    pltpu.sync_copy(z_hbm.at[pl.ds(0, 200)], buf0.at[pl.ds(0, 200)])
    pltpu.sync_copy(buf0.at[pl.ds(0, 200)],
                    acc.at[pl.ds(sid * STRIPE, 200)])
    pltpu.sync_copy(z_hbm.at[pl.ds(200, 128)], buf1.at[pl.ds(0, 128)])
    pltpu.sync_copy(buf1.at[pl.ds(0, 128)],
                    acc.at[pl.ds(sid * STRIPE + 200, 128)])

    pltpu.sync_copy(bounds_hbm.at[c * NS + sid], bnd_v)
    p0 = jnp.max(bnd_v[0]).astype(jnp.int32)
    nmy = jnp.max(bnd_v[1]).astype(jnp.int32)
    base = pl.multiple_of(p0 * LCH, 8)
    ibase = pl.multiple_of(p0 * 2, 8)

    pltpu.sync_copy(clidx_hbm.at[c].at[pl.ds(ibase, IDXROWS)], idx_v)

    plsc.subcore_barrier()

    bufs = (buf0, buf1)
    lsems = (lsem0, lsem1)

    def _load(g, b):
        pltpu.async_copy(s_hbm.at[pl.ds(base + g * LCH, LCH)],
                         bufs[b], lsems[b])

    def _load_wait(g, b):
        pltpu.make_async_copy(s_hbm.at[pl.ds(base + g * LCH, LCH)],
                              bufs[b], lsems[b]).wait()

    def _scatter(g, b):
        for k in range(SUB):
            pltpu.async_copy(bufs[b].at[pl.ds(k * SCH, SCH)],
                             acc.at[idx_v.at[g * SUB + k]], ssem, add=True)
        for k in range(SUB):
            pltpu.make_async_copy(bufs[b].at[pl.ds(k * SCH, SCH)],
                                  acc.at[idx_v.at[g * SUB + k]], ssem).wait()

    npair = nmy // 2

    @pl.when(npair > 0)
    def _():
        _load(0, 0)

        def _pair(g2, carry):
            g0 = 2 * g2
            g1 = g0 + 1
            _load(g1, 1)
            _load_wait(g0, 0)
            _scatter(g0, 0)

            @pl.when(g2 + 1 < npair)
            def _():
                _load(g0 + 2, 0)

            _load_wait(g1, 1)
            _scatter(g1, 1)
            return carry

        lax.fori_loop(0, npair, _pair, 0)

    plsc.subcore_barrier()

    dst = c * SEG_HPAD + sid * STRIPE
    pltpu.sync_copy(acc.at[pl.ds(sid * STRIPE, 200)], buf0.at[pl.ds(0, 200)])
    pltpu.sync_copy(buf0.at[pl.ds(0, 200)], sums_hbm.at[pl.ds(dst, 200)])
    pltpu.sync_copy(acc.at[pl.ds(sid * STRIPE + 200, 128)],
                    buf1.at[pl.ds(0, 128)])
    pltpu.sync_copy(buf1.at[pl.ds(0, 128)],
                    sums_hbm.at[pl.ds(dst + 200, 128)])


@functools.lru_cache(maxsize=1)
def _sc_segment_sum():
    mesh = plsc.VectorSubcoreMesh(core_axis_name="c", subcore_axis_name="s",
                                  num_cores=NC, num_subcores=NS)
    return pl.kernel(
        _sc_segment_sum_body,
        out_type=jax.ShapeDtypeStruct((NC * SEG_HPAD, C_S), jnp.float32),
        mesh=mesh,
        compiler_params=pltpu.CompilerParams(needs_layout_passes=False),
        scratch_types=[
            pltpu.VMEM((LCH, C_S), jnp.float32),
            pltpu.VMEM((LCH, C_S), jnp.float32),
            pltpu.VMEM((IDXROWS, SCH), jnp.int32),
            pltpu.VMEM((2, 16), jnp.float32),
            pltpu.VMEM_SHARED((SEG_HPAD, C_S), jnp.float32),
            pltpu.SemaphoreType.DMA,
            pltpu.SemaphoreType.DMA,
            pltpu.SemaphoreType.DMA,
        ],
    )


_IDR = 320
_IDC = M // _IDR
_CROWS = 2 * SEG_HALF // 128


def _tc_counts(ids_ref, idsT_ref, out_ref):
    bins80 = lax.broadcasted_iota(jnp.int32, (_CROWS, 1), 0)
    lane128 = lax.broadcasted_iota(jnp.int32, (1, 128), 1)

    def _grp(g, acc):
        base = pl.multiple_of(g * 8, 8)
        idsv = ids_ref[pl.ds(base, 8), :]
        idstv = idsT_ref[g]
        for rr in range(8):
            d = idsv[rr:rr + 1, :] // 128
            m = idstv[:, rr:rr + 1] % 128
            a = (bins80 == d).astype(jnp.float32)
            b = (m == lane128).astype(jnp.float32)
            acc = acc + lax.dot_general(a, b, (((1,), (0,)), ((), ())),
                                        preferred_element_type=jnp.float32)
        return acc

    out_ref[...] = lax.fori_loop(0, _IDR // 8,
                                 _grp, jnp.zeros((_CROWS, 128), jnp.float32))


_B = 1024


def _tc_head(sums_ref, cnts_ref, w1_ref, b1_ref, w2_ref, b2_ref, out_ref):
    cnt = cnts_ref[...]
    mean = sums_ref[0] / jnp.maximum(cnt, 1.0)
    h = lax.dot_general(mean, w1_ref[...], (((1,), (1,)), ((), ())),
                        preferred_element_type=jnp.float32)
    h = jnp.maximum(h + b1_ref[...], 0.0)
    o = lax.dot_general(h, w2_ref[...], (((1,), (1,)), ((), ())),
                        preferred_element_type=jnp.float32)
    o = o + b2_ref[...]
    out_ref[...] = jnp.maximum(o, 0.0) + jnp.log1p(jnp.exp(-jnp.abs(o)))


def kernel(s, batch_vec, W1, b1, W2, b2):
    bv = jnp.asarray(batch_vec, jnp.int32)

    def _clamp(c):
        lo = c * SEG_HALF
        rel = bv - lo
        ok = (rel >= 0) & (rel < SEG_HALF)
        cl = jnp.where(ok, rel, SEG_HALF).reshape(2 * GCH, SCH)
        pad = jnp.full(((IDXPAD - 2 * GCH), SCH), SEG_HALF, jnp.int32)
        return jnp.concatenate([cl, pad], axis=0)

    clidx = jnp.stack([_clamp(0), _clamp(1)], axis=0)

    firsts = bv[::LCH]
    lasts = bv[LCH - 1::LCH]
    tvec = jnp.arange(NS + 1, dtype=jnp.int32)

    def _part(c):
        lo = c * SEG_HALF
        active = (lasts >= lo) & (firsts < lo + SEG_HALF)
        g0 = jnp.argmax(active).astype(jnp.int32)
        cnt = jnp.sum(active.astype(jnp.int32))
        g0 = (g0 // 4) * 4
        span4 = (cnt + 3) // 4 + 1
        p = jnp.minimum(g0 + 4 * ((tvec * span4) // NS), GCH)
        n = p[1:] - p[:-1]
        return p[:NS], n

    p0s, n0s = _part(0)
    p1s, n1s = _part(1)
    ps = jnp.stack([p0s, p1s], axis=0).reshape(NC, NS, 1)
    ns = jnp.stack([n0s, n1s], axis=0).reshape(NC, NS, 1)
    bounds = jnp.concatenate([ps, ns], axis=2)
    bounds = jnp.broadcast_to(bounds[:, :, :, None],
                              (NC, NS, 2, 16)).reshape(NC * NS, 2, 16)
    bounds = bounds.astype(jnp.float32)

    z = jnp.zeros((STRIPE, C_S), jnp.float32)

    sums_flat = _sc_segment_sum()(s, clidx, bounds, z)
    sums3 = sums_flat.reshape(NC, SEG_HPAD, C_S)

    ids2 = bv.reshape(_IDR, _IDC)
    ids3T = bv.reshape(_IDR // 8, 8, _IDC).transpose(0, 2, 1)
    cnts2d = pl.pallas_call(
        _tc_counts,
        grid=(1,),
        in_specs=[pl.BlockSpec((_IDR, _IDC), lambda i: (0, 0)),
                  pl.BlockSpec((_IDR // 8, _IDC, 8), lambda i: (0, 0, 0))],
        out_specs=pl.BlockSpec((_CROWS, 128), lambda i: (0, 0)),
        out_shape=jax.ShapeDtypeStruct((_CROWS, 128), jnp.float32),
    )(ids2, ids3T)
    cnts = cnts2d.reshape(NC * SEG_HALF, 1)

    W2p = jnp.zeros((8, C_S), jnp.float32).at[:6].set(W2)
    b2p = jnp.zeros((1, 8), jnp.float32).at[0, :6].set(b2)
    b1r = b1.reshape(1, C_S)

    nb_half = SEG_HALF // _B
    out8 = pl.pallas_call(
        _tc_head,
        grid=(NC * nb_half,),
        in_specs=[
            pl.BlockSpec((1, _B, C_S),
                         lambda i: (i // nb_half, i % nb_half, 0)),
            pl.BlockSpec((_B, 1), lambda i: (i, 0)),
            pl.BlockSpec((C_S, C_S), lambda i: (0, 0)),
            pl.BlockSpec((1, C_S), lambda i: (0, 0)),
            pl.BlockSpec((8, C_S), lambda i: (0, 0)),
            pl.BlockSpec((1, 8), lambda i: (0, 0)),
        ],
        out_specs=pl.BlockSpec((_B, 8), lambda i: (i, 0)),
        out_shape=jax.ShapeDtypeStruct((NC * SEG_HALF, 8), jnp.float32),
    )(sums3, cnts, W1, b1r, W2p, b2p)

    return out8[:NUM_SEGMENTS, :6]

# --- scband reference (transcript-rebuilt; emitter-appended) ---
"""Pipeline reference for scband-lattice-output-69870527971628 (READ-ONLY COPY).

The authoritative reference and input builder live on the scoring server;
editing this copy changes nothing except your own understanding.
"""

import jax, jax.numpy as jnp
import numpy as np

M = 320000
C_S = 128
NUM_SEGMENTS = 10000


def setup_inputs(seed: int = 0) -> dict:
    key = jax.random.key(seed)
    k1, k2, k3, k4 = jax.random.split(key, 4)
    s = jax.random.normal(k1, (M, C_S), dtype=jnp.float32)
    batch_vec = jnp.sort(jax.random.randint(k2, (M,), 0, NUM_SEGMENTS, dtype=jnp.int64))
    # Parameters for nn.Sequential(Linear(c_s, c_s), ReLU(), Linear(c_s, 6))
    lim1 = 1.0 / np.sqrt(C_S)
    W1 = jax.random.uniform(k3, (C_S, C_S), minval=-lim1, maxval=lim1, dtype=jnp.float32)
    b1 = jnp.zeros((C_S,), dtype=jnp.float32)
    W2 = jax.random.uniform(k4, (6, C_S), minval=-lim1, maxval=lim1, dtype=jnp.float32)
    b2 = jnp.zeros((6,), dtype=jnp.float32)
    return {"s": s, "batch_vec": batch_vec, "W1": W1, "b1": b1, "W2": W2, "b2": b2}


def reference(s, batch_vec, W1, b1, W2, b2):
    # scatter(s, batch_vec, dim=0, reduce='mean')
    sums = jax.ops.segment_sum(s, batch_vec, num_segments=NUM_SEGMENTS)
    counts = jax.ops.segment_sum(jnp.ones((s.shape[0],), dtype=s.dtype), batch_vec, num_segments=NUM_SEGMENTS)
    mean = sums / jnp.maximum(counts, 1.0)[:, None]
    # Linear -> ReLU -> Linear
    h = jax.nn.relu(mean @ W1.T + b1)
    out = h @ W2.T + b2
    # softplus
    return jax.nn.softplus(out)

if __name__ == "__main__":
    import jax
    _d = setup_inputs()
    print(jax.jit(kernel)(*tuple(_d.values())))

</pallas_src>

<mosaic_0001>
#map = affine_map<(d0, d1) -> (0, 0)>
#map1 = affine_map<(d0, d1) -> (0, 0, 0)>
module attributes {stable_mosaic.version = 14 : i64} {
  func.func @_sc_segment_sum_body(%arg0: i32, %arg1: i32, %arg2: memref<320000x128xf32, #tpu.memory_space<hbm>>, %arg3: memref<2x3456x100xi32, #tpu.memory_space<hbm>>, %arg4: memref<32x2x16xf32, #tpu.memory_space<hbm>>, %arg5: memref<328x128xf32, #tpu.memory_space<hbm>>, %arg6: memref<10496x128xf32, #tpu.memory_space<hbm>>, %arg7: memref<200x128xf32, #tpu.memory_space<vmem>>, %arg8: memref<200x128xf32, #tpu.memory_space<vmem>>, %arg9: memref<208x100xi32, #tpu.memory_space<vmem>>, %arg10: memref<2x16xf32, #tpu.memory_space<vmem>>, %arg11: memref<5248x128xf32, #tpu.memory_space<vmem_shared>>, %arg12: memref<!tpu.dma_semaphore, #tpu.memory_space<semaphore_mem>>, %arg13: memref<!tpu.dma_semaphore, #tpu.memory_space<semaphore_mem>>, %arg14: memref<!tpu.dma_semaphore, #tpu.memory_space<semaphore_mem>>) attributes {dimension_semantics = [#tpu.dimension_semantics<core_parallel>, #tpu.dimension_semantics<subcore_parallel>], iteration_bounds = array<i64: 2, 16>, scalar_prefetch = 0 : i64, scratch_operands = 8 : i64, tpu.core_type = #tpu.core_type<sc_vector_subcore>, window_params = [{transform_indices = #map}, {transform_indices = #map1}, {transform_indices = #map1}, {transform_indices = #map}, {transform_indices = #map}]} {
    "tpu.region"() ({
      %run_scoped3A = tpu.sem_alloc : memref<!tpu.dma_semaphore, #tpu.memory_space<semaphore_mem>>
      %dma_start3A = arith.constant 0 : i32
      %dma_start3A_60 = arith.constant 0 : i32
      %dma_start3A_61 = tpu.memref_slice %arg7[%dma_start3A, %dma_start3A_60] : memref<200x128xf32, #tpu.memory_space<vmem>> -> memref<200x128xf32, #tpu.memory_space<vmem>>
      %dma_start3A_62 = arith.constant 0 : i32
      %dma_start3A_63 = arith.constant 0 : i32
      %dma_start3A_64 = tpu.memref_slice %arg5[%dma_start3A_62, %dma_start3A_63] : memref<328x128xf32, #tpu.memory_space<hbm>> -> memref<200x128xf32, #tpu.memory_space<hbm>>
      %dma_start3A_65 = arith.constant 0 : i32
      %dma_start3A_66 = arith.constant 0 : i32
      %dma_start3A_67 = tpu.memref_slice %arg7[%dma_start3A_65, %dma_start3A_66] : memref<200x128xf32, #tpu.memory_space<vmem>> -> memref<200x128xf32, #tpu.memory_space<vmem>>
      %dma_start3A_68 = arith.constant 0 : i32
      %dma_start3A_69 = arith.constant 0 : i32
      %dma_start3A_70 = tpu.memref_slice %arg5[%dma_start3A_68, %dma_start3A_69] : memref<328x128xf32, #tpu.memory_space<hbm>> -> memref<200x128xf32, #tpu.memory_space<hbm>>
      tpu.enqueue_dma source(%dma_start3A_70 : memref<200x128xf32, #tpu.memory_space<hbm>>) target(%dma_start3A_67 : memref<200x128xf32, #tpu.memory_space<vmem>>) target_semaphore(%run_scoped3A : memref<!tpu.dma_semaphore, #tpu.memory_space<semaphore_mem>>)
      %dma_wait3A = arith.constant 0 : i32
      %dma_wait3A_71 = arith.constant 0 : i32
      %dma_wait3A_72 = tpu.memref_slice %arg7[%dma_wait3A, %dma_wait3A_71] : memref<200x128xf32, #tpu.memory_space<vmem>> -> memref<200x128xf32, #tpu.memory_space<vmem>>
      %dma_wait3A_73 = arith.constant 0 : i32
      %dma_wait3A_74 = arith.constant 0 : i32
      %dma_wait3A_75 = tpu.memref_slice %arg5[%dma_wait3A_73, %dma_wait3A_74] : memref<328x128xf32, #tpu.memory_space<hbm>> -> memref<200x128xf32, #tpu.memory_space<hbm>>
      %dma_wait3A_76 = arith.constant 0 : i32
      %dma_wait3A_77 = arith.constant 0 : i32
      %dma_wait3A_78 = tpu.memref_slice %arg7[%dma_wait3A_76, %dma_wait3A_77] : memref<200x128xf32, #tpu.memory_space<vmem>> -> memref<200x128xf32, #tpu.memory_space<vmem>>
      %dma_wait3A_79 = arith.constant 0 : i32
      %dma_wait3A_80 = arith.constant 0 : i32
      %dma_wait3A_81 = tpu.memref_slice %arg5[%dma_wait3A_79, %dma_wait3A_80] : memref<328x128xf32, #tpu.memory_space<hbm>> -> memref<200x128xf32, #tpu.memory_space<hbm>>
      tpu.wait_dma2 semaphore(%run_scoped3A : memref<!tpu.dma_semaphore, #tpu.memory_space<semaphore_mem>>) src(%dma_wait3A_81 : memref<200x128xf32, #tpu.memory_space<hbm>>) dst(%dma_wait3A_78 : memref<200x128xf32, #tpu.memory_space<vmem>>)
      tpu.yield
    }) : () -> ()
    %mul3A = arith.constant 328 : i32
    %mul3A_0 = arith.muli %arg1, %mul3A : i32
    "tpu.region"() ({
      %run_scoped3A = tpu.sem_alloc : memref<!tpu.dma_semaphore, #tpu.memory_space<semaphore_mem>>
      %dma_start3A = arith.constant 0 : i32
      %dma_start3A_60 = arith.constant 0 : i32
      %dma_start3A_61 = tpu.memref_slice %arg7[%dma_start3A, %dma_start3A_60] : memref<200x128xf32, #tpu.memory_space<vmem>> -> memref<200x128xf32, #tpu.memory_space<vmem>>
      %dma_start3A_62 = arith.constant 0 : i32
      %dma_start3A_63 = tpu.memref_slice %arg11[%mul3A_0, %dma_start3A_62] : memref<5248x128xf32, #tpu.memory_space<vmem_shared>> -> memref<200x128xf32, #tpu.memory_space<vmem_shared>>
      %dma_start3A_64 = arith.constant 0 : i32
      %dma_start3A_65 = tpu.memref_slice %arg11[%mul3A_0, %dma_start3A_64] : memref<5248x128xf32, #tpu.memory_space<vmem_shared>> -> memref<200x128xf32, #tpu.memory_space<vmem_shared>>
      %dma_start3A_66 = arith.constant 0 : i32
      %dma_start3A_67 = arith.constant 0 : i32
      %dma_start3A_68 = tpu.memref_slice %arg7[%dma_start3A_66, %dma_start3A_67] : memref<200x128xf32, #tpu.memory_space<vmem>> -> memref<200x128xf32, #tpu.memory_space<vmem>>
      tpu.enqueue_dma source(%dma_start3A_68 : memref<200x128xf32, #tpu.memory_space<vmem>>) target(%dma_start3A_65 : memref<200x128xf32, #tpu.memory_space<vmem_shared>>) target_semaphore(%run_scoped3A : memref<!tpu.dma_semaphore, #tpu.memory_space<semaphore_mem>>)
      %dma_wait3A = arith.constant 0 : i32
      %dma_wait3A_69 = arith.constant 0 : i32
      %dma_wait3A_70 = tpu.memref_slice %arg7[%dma_wait3A, %dma_wait3A_69] : memref<200x128xf32, #tpu.memory_space<vmem>> -> memref<200x128xf32, #tpu.memory_space<vmem>>
      %dma_wait3A_71 = arith.constant 0 : i32
      %dma_wait3A_72 = tpu.memref_slice %arg11[%mul3A_0, %dma_wait3A_71] : memref<5248x128xf32, #tpu.memory_space<vmem_shared>> -> memref<200x128xf32, #tpu.memory_space<vmem_shared>>
      %dma_wait3A_73 = arith.constant 0 : i32
      %dma_wait3A_74 = tpu.memref_slice %arg11[%mul3A_0, %dma_wait3A_73] : memref<5248x128xf32, #tpu.memory_space<vmem_shared>> -> memref<200x128xf32, #tpu.memory_space<vmem_shared>>
      %dma_wait3A_75 = arith.constant 0 : i32
      %dma_wait3A_76 = arith.constant 0 : i32
      %dma_wait3A_77 = tpu.memref_slice %arg7[%dma_wait3A_75, %dma_wait3A_76] : memref<200x128xf32, #tpu.memory_space<vmem>> -> memref<200x128xf32, #tpu.memory_space<vmem>>
      tpu.wait_dma2 semaphore(%run_scoped3A : memref<!tpu.dma_semaphore, #tpu.memory_space<semaphore_mem>>) src(%dma_wait3A_77 : memref<200x128xf32, #tpu.memory_space<vmem>>) dst(%dma_wait3A_74 : memref<200x128xf32, #tpu.memory_space<vmem_shared>>)
      tpu.yield
    }) : () -> ()
    "tpu.region"() ({
      %run_scoped3A = tpu.sem_alloc : memref<!tpu.dma_semaphore, #tpu.memory_space<semaphore_mem>>
      %dma_start3A = arith.constant 0 : i32
      %dma_start3A_60 = arith.constant 0 : i32
      %dma_start3A_61 = tpu.memref_slice %arg8[%dma_start3A, %dma_start3A_60] : memref<200x128xf32, #tpu.memory_space<vmem>> -> memref<128x128xf32, #tpu.memory_space<vmem>>
      %dma_start3A_62 = arith.constant 200 : i32
      %dma_start3A_63 = arith.constant 0 : i32
      %dma_start3A_64 = tpu.memref_slice %arg5[%dma_start3A_62, %dma_start3A_63] : memref<328x128xf32, #tpu.memory_space<hbm>> -> memref<128x128xf32, #tpu.memory_space<hbm>>
      %dma_start3A_65 = arith.constant 0 : i32
      %dma_start3A_66 = arith.constant 0 : i32
      %dma_start3A_67 = tpu.memref_slice %arg8[%dma_start3A_65, %dma_start3A_66] : memref<200x128xf32, #tpu.memory_space<vmem>> -> memref<128x128xf32, #tpu.memory_space<vmem>>
      %dma_start3A_68 = arith.constant 200 : i32
      %dma_start3A_69 = arith.constant 0 : i32
      %dma_start3A_70 = tpu.memref_slice %arg5[%dma_start3A_68, %dma_start3A_69] : memref<328x128xf32, #tpu.memory_space<hbm>> -> memref<128x128xf32, #tpu.memory_space<hbm>>
      tpu.enqueue_dma source(%dma_start3A_70 : memref<128x128xf32, #tpu.memory_space<hbm>>) target(%dma_start3A_67 : memref<128x128xf32, #tpu.memory_space<vmem>>) target_semaphore(%run_scoped3A : memref<!tpu.dma_semaphore, #tpu.memory_space<semaphore_mem>>)
      %dma_wait3A = arith.constant 0 : i32
      %dma_wait3A_71 = arith.constant 0 : i32
      %dma_wait3A_72 = tpu.memref_slice %arg8[%dma_wait3A, %dma_wait3A_71] : memref<200x128xf32, #tpu.memory_space<vmem>> -> memref<128x128xf32, #tpu.memory_space<vmem>>
      %dma_wait3A_73 = arith.constant 200 : i32
      %dma_wait3A_74 = arith.constant 0 : i32
      %dma_wait3A_75 = tpu.memref_slice %arg5[%dma_wait3A_73, %dma_wait3A_74] : memref<328x128xf32, #tpu.memory_space<hbm>> -> memref<128x128xf32, #tpu.memory_space<hbm>>
      %dma_wait3A_76 = arith.constant 0 : i32
      %dma_wait3A_77 = arith.constant 0 : i32
      %dma_wait3A_78 = tpu.memref_slice %arg8[%dma_wait3A_76, %dma_wait3A_77] : memref<200x128xf32, #tpu.memory_space<vmem>> -> memref<128x128xf32, #tpu.memory_space<vmem>>
      %dma_wait3A_79 = arith.constant 200 : i32
      %dma_wait3A_80 = arith.constant 0 : i32
      %dma_wait3A_81 = tpu.memref_slice %arg5[%dma_wait3A_79, %dma_wait3A_80] : memref<328x128xf32, #tpu.memory_space<hbm>> -> memref<128x128xf32, #tpu.memory_space<hbm>>
      tpu.wait_dma2 semaphore(%run_scoped3A : memref<!tpu.dma_semaphore, #tpu.memory_space<semaphore_mem>>) src(%dma_wait3A_81 : memref<128x128xf32, #tpu.memory_space<hbm>>) dst(%dma_wait3A_78 : memref<128x128xf32, #tpu.memory_space<vmem>>)
      tpu.yield
    }) : () -> ()
    %mul3A_1 = arith.constant 328 : i32
    %mul3A_2 = arith.muli %arg1, %mul3A_1 : i32
    %add3A = arith.constant 200 : i32
    %add3A_3 = arith.addi %mul3A_2, %add3A : i32
    "tpu.region"() ({
      %run_scoped3A = tpu.sem_alloc : memref<!tpu.dma_semaphore, #tpu.memory_space<semaphore_mem>>
      %dma_start3A = arith.constant 0 : i32
      %dma_start3A_60 = arith.constant 0 : i32
      %dma_start3A_61 = tpu.memref_slice %arg8[%dma_start3A, %dma_start3A_60] : memref<200x128xf32, #tpu.memory_space<vmem>> -> memref<128x128xf32, #tpu.memory_space<vmem>>
      %dma_start3A_62 = arith.constant 0 : i32
      %dma_start3A_63 = tpu.memref_slice %arg11[%add3A_3, %dma_start3A_62] : memref<5248x128xf32, #tpu.memory_space<vmem_shared>> -> memref<128x128xf32, #tpu.memory_space<vmem_shared>>
      %dma_start3A_64 = arith.constant 0 : i32
      %dma_start3A_65 = tpu.memref_slice %arg11[%add3A_3, %dma_start3A_64] : memref<5248x128xf32, #tpu.memory_space<vmem_shared>> -> memref<128x128xf32, #tpu.memory_space<vmem_shared>>
      %dma_start3A_66 = arith.constant 0 : i32
      %dma_start3A_67 = arith.constant 0 : i32
      %dma_start3A_68 = tpu.memref_slice %arg8[%dma_start3A_66, %dma_start3A_67] : memref<200x128xf32, #tpu.memory_space<vmem>> -> memref<128x128xf32, #tpu.memory_space<vmem>>
      tpu.enqueue_dma source(%dma_start3A_68 : memref<128x128xf32, #tpu.memory_space<vmem>>) target(%dma_start3A_65 : memref<128x128xf32, #tpu.memory_space<vmem_shared>>) target_semaphore(%run_scoped3A : memref<!tpu.dma_semaphore, #tpu.memory_space<semaphore_mem>>)
      %dma_wait3A = arith.constant 0 : i32
      %dma_wait3A_69 = arith.constant 0 : i32
      %dma_wait3A_70 = tpu.memref_slice %arg8[%dma_wait3A, %dma_wait3A_69] : memref<200x128xf32, #tpu.memory_space<vmem>> -> memref<128x128xf32, #tpu.memory_space<vmem>>
      %dma_wait3A_71 = arith.constant 0 : i32
      %dma_wait3A_72 = tpu.memref_slice %arg11[%add3A_3, %dma_wait3A_71] : memref<5248x128xf32, #tpu.memory_space<vmem_shared>> -> memref<128x128xf32, #tpu.memory_space<vmem_shared>>
      %dma_wait3A_73 = arith.constant 0 : i32
      %dma_wait3A_74 = tpu.memref_slice %arg11[%add3A_3, %dma_wait3A_73] : memref<5248x128xf32, #tpu.memory_space<vmem_shared>> -> memref<128x128xf32, #tpu.memory_space<vmem_shared>>
      %dma_wait3A_75 = arith.constant 0 : i32
      %dma_wait3A_76 = arith.constant 0 : i32
      %dma_wait3A_77 = tpu.memref_slice %arg8[%dma_wait3A_75, %dma_wait3A_76] : memref<200x128xf32, #tpu.memory_space<vmem>> -> memref<128x128xf32, #tpu.memory_space<vmem>>
      tpu.wait_dma2 semaphore(%run_scoped3A : memref<!tpu.dma_semaphore, #tpu.memory_space<semaphore_mem>>) src(%dma_wait3A_77 : memref<128x128xf32, #tpu.memory_space<vmem>>) dst(%dma_wait3A_74 : memref<128x128xf32, #tpu.memory_space<vmem_shared>>)
      tpu.yield
    }) : () -> ()
    %mul3A_4 = arith.constant 16 : i32
    %mul3A_5 = arith.muli %arg0, %mul3A_4 : i32
    %add3A_6 = arith.addi %mul3A_5, %arg1 : i32
    "tpu.region"() ({
      %run_scoped3A = tpu.sem_alloc : memref<!tpu.dma_semaphore, #tpu.memory_space<semaphore_mem>>
      %dma_start3A = arith.constant 0 : i32
      %dma_start3A_60 = arith.constant 0 : i32
      %dma_start3A_61 = tpu.memref_slice %arg4[%add3A_6, %dma_start3A, %dma_start3A_60] : memref<32x2x16xf32, #tpu.memory_space<hbm>> -> memref<1x2x16xf32, #tpu.memory_space<hbm>>
      %dma_start3A_62 = tpu.memref_squeeze %dma_start3A_61 : memref<1x2x16xf32, #tpu.memory_space<hbm>> -> memref<2x16xf32, #tpu.memory_space<hbm>>
      %dma_start3A_63 = arith.constant 0 : i32
      %dma_start3A_64 = arith.constant 0 : i32
      %dma_start3A_65 = tpu.memref_slice %arg4[%add3A_6, %dma_start3A_63, %dma_start3A_64] : memref<32x2x16xf32, #tpu.memory_space<hbm>> -> memref<1x2x16xf32, #tpu.memory_space<hbm>>
      %dma_start3A_66 = tpu.memref_squeeze %dma_start3A_65 : memref<1x2x16xf32, #tpu.memory_space<hbm>> -> memref<2x16xf32, #tpu.memory_space<hbm>>
      tpu.enqueue_dma source(%dma_start3A_66 : memref<2x16xf32, #tpu.memory_space<hbm>>) target(%arg10 : memref<2x16xf32, #tpu.memory_space<vmem>>) target_semaphore(%run_scoped3A : memref<!tpu.dma_semaphore, #tpu.memory_space<semaphore_mem>>)
      %dma_wait3A = arith.constant 0 : i32
      %dma_wait3A_67 = arith.constant 0 : i32
      %dma_wait3A_68 = tpu.memref_slice %arg4[%add3A_6, %dma_wait3A, %dma_wait3A_67] : memref<32x2x16xf32, #tpu.memory_space<hbm>> -> memref<1x2x16xf32, #tpu.memory_space<hbm>>
      %dma_wait3A_69 = tpu.memref_squeeze %dma_wait3A_68 : memref<1x2x16xf32, #tpu.memory_space<hbm>> -> memref<2x16xf32, #tpu.memory_space<hbm>>
      %dma_wait3A_70 = arith.constant 0 : i32
      %dma_wait3A_71 = arith.constant 0 : i32
      %dma_wait3A_72 = tpu.memref_slice %arg4[%add3A_6, %dma_wait3A_70, %dma_wait3A_71] : memref<32x2x16xf32, #tpu.memory_space<hbm>> -> memref<1x2x16xf32, #tpu.memory_space<hbm>>
      %dma_wait3A_73 = tpu.memref_squeeze %dma_wait3A_72 : memref<1x2x16xf32, #tpu.memory_space<hbm>> -> memref<2x16xf32, #tpu.memory_space<hbm>>
      tpu.wait_dma2 semaphore(%run_scoped3A : memref<!tpu.dma_semaphore, #tpu.memory_space<semaphore_mem>>) src(%dma_wait3A_73 : memref<2x16xf32, #tpu.memory_space<hbm>>) dst(%arg10 : memref<2x16xf32, #tpu.memory_space<vmem>>)
      tpu.yield
    }) : () -> ()
    %get3A = arith.constant 0 : i32
    %get3A_7 = arith.index_cast %get3A : i32 to index
    %get3A_8 = arith.constant 0 : index
    %get3A_9 = tpu.vector_load %arg10[%get3A_7, %get3A_8] {strides = array<i32>} : memref<2x16xf32, #tpu.memory_space<vmem>>, vector<16xf32>,
    %reduce_max3A = arith.constant true
    %reduce_max3A_10 = vector.broadcast %reduce_max3A : i1 to vector<16xi1>
    %reduce_max3A_11 = tpu.scan <max>, %get3A_9 masked %reduce_max3A_10 : vector<16xf32>, vector<16xi1> -> vector<16xf32>
    %reduce_max3A_12 = vector.extract %reduce_max3A_11[15] : f32 from vector<16xf32>
    %convert_element_type3A = arith.fptosi %reduce_max3A_12 : f32 to i32
    %get3A_13 = arith.constant 1 : i32
    %get3A_14 = arith.index_cast %get3A_13 : i32 to index
    %get3A_15 = arith.constant 0 : index
    %get3A_16 = tpu.vector_load %arg10[%get3A_14, %get3A_15] {strides = array<i32>} : memref<2x16xf32, #tpu.memory_space<vmem>>, vector<16xf32>,
    %reduce_max3A_17 = arith.constant true
    %reduce_max3A_18 = vector.broadcast %reduce_max3A_17 : i1 to vector<16xi1>
    %reduce_max3A_19 = tpu.scan <max>, %get3A_16 masked %reduce_max3A_18 : vector<16xf32>, vector<16xi1> -> vector<16xf32>
    %reduce_max3A_20 = vector.extract %reduce_max3A_19[15] : f32 from vector<16xf32>
    %convert_element_type3A_21 = arith.fptosi %reduce_max3A_20 : f32 to i32
    %mul3A_22 = arith.constant 200 : i32
    %mul3A_23 = arith.muli %convert_element_type3A, %mul3A_22 : i32
    %multiple_of3A = tpu.assume_multiple %mul3A_23, 8 : i32
    %mul3A_24 = arith.constant 2 : i32
    %mul3A_25 = arith.muli %convert_element_type3A, %mul3A_24 : i32
    %multiple_of3A_26 = tpu.assume_multiple %mul3A_25, 8 : i32
    "tpu.region"() ({
      %run_scoped3A = tpu.sem_alloc : memref<!tpu.dma_semaphore, #tpu.memory_space<semaphore_mem>>
      %dma_start3A = arith.constant 0 : i32
      %dma_start3A_60 = arith.constant 0 : i32
      %dma_start3A_61 = tpu.memref_slice %arg3[%arg0, %dma_start3A, %dma_start3A_60] : memref<2x3456x100xi32, #tpu.memory_space<hbm>> -> memref<1x3456x100xi32, #tpu.memory_space<hbm>>
      %dma_start3A_62 = tpu.memref_squeeze %dma_start3A_61 : memref<1x3456x100xi32, #tpu.memory_space<hbm>> -> memref<3456x100xi32, #tpu.memory_space<hbm>>
      %dma_start3A_63 = arith.constant 0 : i32
      %dma_start3A_64 = tpu.memref_slice %dma_start3A_62[%multiple_of3A_26, %dma_start3A_63] : memref<3456x100xi32, #tpu.memory_space<hbm>> -> memref<208x100xi32, #tpu.memory_space<hbm>>
      %dma_start3A_65 = arith.constant 0 : i32
      %dma_start3A_66 = arith.constant 0 : i32
      %dma_start3A_67 = tpu.memref_slice %arg3[%arg0, %dma_start3A_65, %dma_start3A_66] : memref<2x3456x100xi32, #tpu.memory_space<hbm>> -> memref<1x3456x100xi32, #tpu.memory_space<hbm>>
      %dma_start3A_68 = tpu.memref_squeeze %dma_start3A_67 : memref<1x3456x100xi32, #tpu.memory_space<hbm>> -> memref<3456x100xi32, #tpu.memory_space<hbm>>
      %dma_start3A_69 = arith.constant 0 : i32
      %dma_start3A_70 = tpu.memref_slice %dma_start3A_68[%multiple_of3A_26, %dma_start3A_69] : memref<3456x100xi32, #tpu.memory_space<hbm>> -> memref<208x100xi32, #tpu.memory_space<hbm>>
      tpu.enqueue_dma source(%dma_start3A_70 : memref<208x100xi32, #tpu.memory_space<hbm>>) target(%arg9 : memref<208x100xi32, #tpu.memory_space<vmem>>) target_semaphore(%run_scoped3A : memref<!tpu.dma_semaphore, #tpu.memory_space<semaphore_mem>>)
      %dma_wait3A = arith.constant 0 : i32
      %dma_wait3A_71 = arith.constant 0 : i32
      %dma_wait3A_72 = tpu.memref_slice %arg3[%arg0, %dma_wait3A, %dma_wait3A_71] : memref<2x3456x100xi32, #tpu.memory_space<hbm>> -> memref<1x3456x100xi32, #tpu.memory_space<hbm>>
      %dma_wait3A_73 = tpu.memref_squeeze %dma_wait3A_72 : memref<1x3456x100xi32, #tpu.memory_space<hbm>> -> memref<3456x100xi32, #tpu.memory_space<hbm>>
      %dma_wait3A_74 = arith.constant 0 : i32
      %dma_wait3A_75 = tpu.memref_slice %dma_wait3A_73[%multiple_of3A_26, %dma_wait3A_74] : memref<3456x100xi32, #tpu.memory_space<hbm>> -> memref<208x100xi32, #tpu.memory_space<hbm>>
      %dma_wait3A_76 = arith.constant 0 : i32
      %dma_wait3A_77 = arith.constant 0 : i32
      %dma_wait3A_78 = tpu.memref_slice %arg3[%arg0, %dma_wait3A_76, %dma_wait3A_77] : memref<2x3456x100xi32, #tpu.memory_space<hbm>> -> memref<1x3456x100xi32, #tpu.memory_space<hbm>>
      %dma_wait3A_79 = tpu.memref_squeeze %dma_wait3A_78 : memref<1x3456x100xi32, #tpu.memory_space<hbm>> -> memref<3456x100xi32, #tpu.memory_space<hbm>>
      %dma_wait3A_80 = arith.constant 0 : i32
      %dma_wait3A_81 = tpu.memref_slice %dma_wait3A_79[%multiple_of3A_26, %dma_wait3A_80] : memref<3456x100xi32, #tpu.memory_space<hbm>> -> memref<208x100xi32, #tpu.memory_space<hbm>>
      tpu.wait_dma2 semaphore(%run_scoped3A : memref<!tpu.dma_semaphore, #tpu.memory_space<semaphore_mem>>) src(%dma_wait3A_81 : memref<208x100xi32, #tpu.memory_space<hbm>>) dst(%arg9 : memref<208x100xi32, #tpu.memory_space<vmem>>)
      tpu.yield
    }) : () -> ()
    %barrier3A = arith.constant 0 : index
    tpu.barrier barrier_id(%barrier3A)
    %jit3A = arith.constant 2 : i32
    %div3A = arith.divsi %convert_element_type3A_21, %jit3A : i32
    %sign3A = arith.constant 0 : i32
    %sign3A_27 = arith.cmpi sgt, %convert_element_type3A_21, %sign3A : i32
    %sign3A_28 = arith.extui %sign3A_27 : i1 to i32
    %sign3A_29 = arith.constant 0 : i32
    %sign3A_30 = arith.cmpi slt, %convert_element_type3A_21, %sign3A_29 : i32
    %sign3A_31 = arith.extui %sign3A_30 : i1 to i32
    %sign3A_32 = arith.subi %sign3A_28, %sign3A_31 : i32
    %sign3A_33 = arith.constant 0 : i32
    %sign3A_34 = arith.cmpi sgt, %jit3A, %sign3A_33 : i32
    %sign3A_35 = arith.extui %sign3A_34 : i1 to i32
    %sign3A_36 = arith.constant 0 : i32
    %sign3A_37 = arith.cmpi slt, %jit3A, %sign3A_36 : i32
    %sign3A_38 = arith.extui %sign3A_37 : i1 to i32
    %sign3A_39 = arith.subi %sign3A_35, %sign3A_38 : i32
    %ne3A = arith.cmpi ne, %sign3A_32, %sign3A_39 : i32
    %rem3A = arith.remsi %convert_element_type3A_21, %jit3A : i32
    %ne3A_40 = arith.constant 0 : i32
    %ne3A_41 = arith.cmpi ne, %rem3A, %ne3A_40 : i32
    %and3A = arith.andi %ne3A, %ne3A_41 : i1
    %sub3A = arith.constant 1 : i32
    %sub3A_42 = arith.subi %div3A, %sub3A : i32
    %select_n3A = arith.select %and3A, %sub3A_42, %div3A : i32
    %gt3A = arith.constant 0 : i32
    %gt3A_43 = arith.cmpi sgt, %select_n3A, %gt3A : i32
    %convert_element_type3A_44 = arith.extui %gt3A_43 : i1 to i32
    %cond3A = arith.constant 0 : i32
    %cond3A_45 = arith.cmpi ne, %convert_element_type3A_44, %cond3A : i32
    scf.if %cond3A_45 {
      %add3A_60 = arith.constant 0 : i32
      %add3A_61 = arith.addi %multiple_of3A, %add3A_60 : i32
      %dma_start3A = arith.constant 0 : i32
      %dma_start3A_62 = tpu.memref_slice %arg2[%add3A_61, %dma_start3A] : memref<320000x128xf32, #tpu.memory_space<hbm>> -> memref<200x128xf32, #tpu.memory_space<hbm>>
      %dma_start3A_63 = arith.constant 0 : i32
      %dma_start3A_64 = tpu.memref_slice %arg2[%add3A_61, %dma_start3A_63] : memref<320000x128xf32, #tpu.memory_space<hbm>> -> memref<200x128xf32, #tpu.memory_space<hbm>>
      tpu.enqueue_dma source(%dma_start3A_64 : memref<200x128xf32, #tpu.memory_space<hbm>>) target(%arg7 : memref<200x128xf32, #tpu.memory_space<vmem>>) target_semaphore(%arg12 : memref<!tpu.dma_semaphore, #tpu.memory_space<semaphore_mem>>)
      %while3A = arith.constant 0 : i32
      %while3A_65 = arith.constant 0 : i32
      %while3A_66 = arith.subi %select_n3A, %while3A_65 : i32
      %while3A_67 = arith.addi %while3A_65, %while3A_66 : i32
      %while3A_68 = arith.constant 1 : i32
      %while3A_69 = arith.divsi %while3A_66, %while3A_68 : i32
      %while3A_70 = arith.muli %while3A_69, %while3A_68 : i32
      %while3A_71 = arith.addi %while3A_65, %while3A_70 : i32
      %while3A_72 = arith.constant 1 : i32
      scf.for %while3A_74 = %while3A_65 to %while3A_71 step %while3A_72  : i32 {
        %mul3A_75 = arith.constant 2 : i32
        %mul3A_76 = arith.muli %mul3A_75, %while3A_74 : i32
        %add3A_77 = arith.constant 1 : i32
        %add3A_78 = arith.addi %mul3A_76, %add3A_77 : i32
        %mul3A_79 = arith.constant 200 : i32
        %mul3A_80 = arith.muli %add3A_78, %mul3A_79 : i32
        %add3A_81 = arith.addi %multiple_of3A, %mul3A_80 : i32
        %dma_start3A_82 = arith.constant 0 : i32
        %dma_start3A_83 = tpu.memref_slice %arg2[%add3A_81, %dma_start3A_82] : memref<320000x128xf32, #tpu.memory_space<hbm>> -> memref<200x128xf32, #tpu.memory_space<hbm>>
        %dma_start3A_84 = arith.constant 0 : i32
        %dma_start3A_85 = tpu.memref_slice %arg2[%add3A_81, %dma_start3A_84] : memref<320000x128xf32, #tpu.memory_space<hbm>> -> memref<200x128xf32, #tpu.memory_space<hbm>>
        tpu.enqueue_dma source(%dma_start3A_85 : memref<200x128xf32, #tpu.memory_space<hbm>>) target(%arg8 : memref<200x128xf32, #tpu.memory_space<vmem>>) target_semaphore(%arg13 : memref<!tpu.dma_semaphore, #tpu.memory_space<semaphore_mem>>)
        %mul3A_86 = arith.constant 200 : i32
        %mul3A_87 = arith.muli %mul3A_76, %mul3A_86 : i32
        %add3A_88 = arith.addi %multiple_of3A, %mul3A_87 : i32
        %dma_wait3A = arith.constant 0 : i32
        %dma_wait3A_89 = tpu.memref_slice %arg2[%add3A_88, %dma_wait3A] : memref<320000x128xf32, #tpu.memory_space<hbm>> -> memref<200x128xf32, #tpu.memory_space<hbm>>
        %dma_wait3A_90 = arith.constant 0 : i32
        %dma_wait3A_91 = tpu.memref_slice %arg2[%add3A_88, %dma_wait3A_90] : memref<320000x128xf32, #tpu.memory_space<hbm>> -> memref<200x128xf32, #tpu.memory_space<hbm>>
        tpu.wait_dma2 semaphore(%arg12 : memref<!tpu.dma_semaphore, #tpu.memory_space<semaphore_mem>>) src(%dma_wait3A_91 : memref<200x128xf32, #tpu.memory_space<hbm>>) dst(%arg7 : memref<200x128xf32, #tpu.memory_space<vmem>>)
        %mul3A_92 = arith.constant 2 : i32
        %mul3A_93 = arith.muli %mul3A_76, %mul3A_92 : i32
        %add3A_94 = arith.constant 0 : i32
        %add3A_95 = arith.addi %mul3A_93, %add3A_94 : i32
        %dma_start3A_96 = arith.constant 0 : i32
        %dma_start3A_97 = arith.constant 0 : i32
        %dma_start3A_98 = tpu.memref_slice %arg7[%dma_start3A_96, %dma_start3A_97] : memref<200x128xf32, #tpu.memory_space<vmem>> -> memref<100x128xf32, #tpu.memory_space<vmem>>
        %dma_start3A_99 = arith.constant 0 : i32
        %dma_start3A_100 = tpu.memref_slice %arg9[%add3A_95, %dma_start3A_99] : memref<208x100xi32, #tpu.memory_space<vmem>> -> memref<1x100xi32, #tpu.memory_space<vmem>>
        %dma_start3A_101 = tpu.memref_squeeze %dma_start3A_100 : memref<1x100xi32, #tpu.memory_space<vmem>> -> memref<100xi32, #tpu.memory_space<vmem>>
        %dma_start3A_102 = arith.constant 0 : i32
        %dma_start3A_103 = arith.constant 0 : i32
        %dma_start3A_104 = tpu.memref_slice %arg11[%dma_start3A_102, %dma_start3A_103] : memref<5248x128xf32, #tpu.memory_space<vmem_shared>> -> memref<5248x128xf32, #tpu.memory_space<vmem_shared>>
        tpu.enqueue_indirect_dma source(%dma_start3A_98 : memref<100x128xf32, #tpu.memory_space<vmem>>) target(%dma_start3A_104 : memref<5248x128xf32, #tpu.memory_space<vmem_shared>>) offsets(%dma_start3A_101 : memref<100xi32, #tpu.memory_space<vmem>>) semaphore(%arg14 : memref<!tpu.dma_semaphore, #tpu.memory_space<semaphore_mem>>) {add = true}
        %mul3A_105 = arith.constant 2 : i32
        %mul3A_106 = arith.muli %mul3A_76, %mul3A_105 : i32
        %add3A_107 = arith.constant 1 : i32
        %add3A_108 = arith.addi %mul3A_106, %add3A_107 : i32
        %dma_start3A_109 = arith.constant 100 : i32
        %dma_start3A_110 = arith.constant 0 : i32
        %dma_start3A_111 = tpu.memref_slice %arg7[%dma_start3A_109, %dma_start3A_110] : memref<200x128xf32, #tpu.memory_space<vmem>> -> memref<100x128xf32, #tpu.memory_space<vmem>>
        %dma_start3A_112 = arith.constant 0 : i32
        %dma_start3A_113 = tpu.memref_slice %arg9[%add3A_108, %dma_start3A_112] : memref<208x100xi32, #tpu.memory_space<vmem>> -> memref<1x100xi32, #tpu.memory_space<vmem>>
        %dma_start3A_114 = tpu.memref_squeeze %dma_start3A_113 : memref<1x100xi32, #tpu.memory_space<vmem>> -> memref<100xi32, #tpu.memory_space<vmem>>
        %dma_start3A_115 = arith.constant 0 : i32
        %dma_start3A_116 = arith.constant 0 : i32
        %dma_start3A_117 = tpu.memref_slice %arg11[%dma_start3A_115, %dma_start3A_116] : memref<5248x128xf32, #tpu.memory_space<vmem_shared>> -> memref<5248x128xf32, #tpu.memory_space<vmem_shared>>
        tpu.enqueue_indirect_dma source(%dma_start3A_111 : memref<100x128xf32, #tpu.memory_space<vmem>>) target(%dma_start3A_117 : memref<5248x128xf32, #tpu.memory_space<vmem_shared>>) offsets(%dma_start3A_114 : memref<100xi32, #tpu.memory_space<vmem>>) semaphore(%arg14 : memref<!tpu.dma_semaphore, #tpu.memory_space<semaphore_mem>>) {add = true}
        %mul3A_118 = arith.constant 2 : i32
        %mul3A_119 = arith.muli %mul3A_76, %mul3A_118 : i32
        %add3A_120 = arith.constant 0 : i32
        %add3A_121 = arith.addi %mul3A_119, %add3A_120 : i32
        %dma_wait3A_122 = arith.constant 0 : i32
        %dma_wait3A_123 = arith.constant 0 : i32
        %dma_wait3A_124 = tpu.memref_slice %arg7[%dma_wait3A_122, %dma_wait3A_123] : memref<200x128xf32, #tpu.memory_space<vmem>> -> memref<100x128xf32, #tpu.memory_space<vmem>>
        %dma_wait3A_125 = arith.constant 0 : i32
        %dma_wait3A_126 = tpu.memref_slice %arg9[%add3A_121, %dma_wait3A_125] : memref<208x100xi32, #tpu.memory_space<vmem>> -> memref<1x100xi32, #tpu.memory_space<vmem>>
        %dma_wait3A_127 = tpu.memref_squeeze %dma_wait3A_126 : memref<1x100xi32, #tpu.memory_space<vmem>> -> memref<100xi32, #tpu.memory_space<vmem>>
        %dma_wait3A_128 = arith.constant 0 : i32
        %dma_wait3A_129 = arith.constant 0 : i32
        %dma_wait3A_130 = tpu.memref_slice %arg11[%dma_wait3A_128, %dma_wait3A_129] : memref<5248x128xf32, #tpu.memory_space<vmem_shared>> -> memref<5248x128xf32, #tpu.memory_space<vmem_shared>>
        tpu.wait_indirect_dma semaphore(%arg14 : memref<!tpu.dma_semaphore, #tpu.memory_space<semaphore_mem>>) src(%dma_wait3A_124 : memref<100x128xf32, #tpu.memory_space<vmem>>) dst(%dma_wait3A_130 : memref<5248x128xf32, #tpu.memory_space<vmem_shared>>)
        %mul3A_131 = arith.constant 2 : i32
        %mul3A_132 = arith.muli %mul3A_76, %mul3A_131 : i32
        %add3A_133 = arith.constant 1 : i32
        %add3A_134 = arith.addi %mul3A_132, %add3A_133 : i32
        %dma_wait3A_135 = arith.constant 100 : i32
        %dma_wait3A_136 = arith.constant 0 : i32
        %dma_wait3A_137 = tpu.memref_slice %arg7[%dma_wait3A_135, %dma_wait3A_136] : memref<200x128xf32, #tpu.memory_space<vmem>> -> memref<100x128xf32, #tpu.memory_space<vmem>>
        %dma_wait3A_138 = arith.constant 0 : i32
        %dma_wait3A_139 = tpu.memref_slice %arg9[%add3A_134, %dma_wait3A_138] : memref<208x100xi32, #tpu.memory_space<vmem>> -> memref<1x100xi32, #tpu.memory_space<vmem>>
        %dma_wait3A_140 = tpu.memref_squeeze %dma_wait3A_139 : memref<1x100xi32, #tpu.memory_space<vmem>> -> memref<100xi32, #tpu.memory_space<vmem>>
        %dma_wait3A_141 = arith.constant 0 : i32
        %dma_wait3A_142 = arith.constant 0 : i32
        %dma_wait3A_143 = tpu.memref_slice %arg11[%dma_wait3A_141, %dma_wait3A_142] : memref<5248x128xf32, #tpu.memory_space<vmem_shared>> -> memref<5248x128xf32, #tpu.memory_space<vmem_shared>>
        tpu.wait_indirect_dma semaphore(%arg14 : memref<!tpu.dma_semaphore, #tpu.memory_space<semaphore_mem>>) src(%dma_wait3A_137 : memref<100x128xf32, #tpu.memory_space<vmem>>) dst(%dma_wait3A_143 : memref<5248x128xf32, #tpu.memory_space<vmem_shared>>)
        %add3A_144 = arith.constant 1 : i32
        %add3A_145 = arith.addi %while3A_74, %add3A_144 : i32
        %lt3A = arith.cmpi slt, %add3A_145, %select_n3A : i32
        %convert_element_type3A_146 = arith.extui %lt3A : i1 to i32
        %cond3A_147 = arith.constant 0 : i32
        %cond3A_148 = arith.cmpi ne, %convert_element_type3A_146, %cond3A_147 : i32
        scf.if %cond3A_148 {
          %add3A_208 = arith.constant 2 : i32
          %add3A_209 = arith.addi %mul3A_76, %add3A_208 : i32
          %mul3A_210 = arith.constant 200 : i32
          %mul3A_211 = arith.muli %add3A_209, %mul3A_210 : i32
          %add3A_212 = arith.addi %multiple_of3A, %mul3A_211 : i32
          %dma_start3A_213 = arith.constant 0 : i32
          %dma_start3A_214 = tpu.memref_slice %arg2[%add3A_212, %dma_start3A_213] : memref<320000x128xf32, #tpu.memory_space<hbm>> -> memref<200x128xf32, #tpu.memory_space<hbm>>
          %dma_start3A_215 = arith.constant 0 : i32
          %dma_start3A_216 = tpu.memref_slice %arg2[%add3A_212, %dma_start3A_215] : memref<320000x128xf32, #tpu.memory_space<hbm>> -> memref<200x128xf32, #tpu.memory_space<hbm>>
          tpu.enqueue_dma source(%dma_start3A_216 : memref<200x128xf32, #tpu.memory_space<hbm>>) target(%arg7 : memref<200x128xf32, #tpu.memory_space<vmem>>) target_semaphore(%arg12 : memref<!tpu.dma_semaphore, #tpu.memory_space<semaphore_mem>>)
        } else {
        }
        %mul3A_149 = arith.constant 200 : i32
        %mul3A_150 = arith.muli %add3A_78, %mul3A_149 : i32
        %add3A_151 = arith.addi %multiple_of3A, %mul3A_150 : i32
        %dma_wait3A_152 = arith.constant 0 : i32
        %dma_wait3A_153 = tpu.memref_slice %arg2[%add3A_151, %dma_wait3A_152] : memref<320000x128xf32, #tpu.memory_space<hbm>> -> memref<200x128xf32, #tpu.memory_space<hbm>>
        %dma_wait3A_154 = arith.constant 0 : i32
        %dma_wait3A_155 = tpu.memref_slice %arg2[%add3A_151, %dma_wait3A_154] : memref<320000x128xf32, #tpu.memory_space<hbm>> -> memref<200x128xf32, #tpu.memory_space<hbm>>
        tpu.wait_dma2 semaphore(%arg13 : memref<!tpu.dma_semaphore, #tpu.memory_space<semaphore_mem>>) src(%dma_wait3A_155 : memref<200x128xf32, #tpu.memory_space<hbm>>) dst(%arg8 : memref<200x128xf32, #tpu.memory_space<vmem>>)
        %mul3A_156 = arith.constant 2 : i32
        %mul3A_157 = arith.muli %add3A_78, %mul3A_156 : i32
        %add3A_158 = arith.constant 0 : i32
        %add3A_159 = arith.addi %mul3A_157, %add3A_158 : i32
        %dma_start3A_160 = arith.constant 0 : i32
        %dma_start3A_161 = arith.constant 0 : i32
        %dma_start3A_162 = tpu.memref_slice %arg8[%dma_start3A_160, %dma_start3A_161] : memref<200x128xf32, #tpu.memory_space<vmem>> -> memref<100x128xf32, #tpu.memory_space<vmem>>
        %dma_start3A_163 = arith.constant 0 : i32
        %dma_start3A_164 = tpu.memref_slice %arg9[%add3A_159, %dma_start3A_163] : memref<208x100xi32, #tpu.memory_space<vmem>> -> memref<1x100xi32, #tpu.memory_space<vmem>>
        %dma_start3A_165 = tpu.memref_squeeze %dma_start3A_164 : memref<1x100xi32, #tpu.memory_space<vmem>> -> memref<100xi32, #tpu.memory_space<vmem>>
        %dma_start3A_166 = arith.constant 0 : i32
        %dma_start3A_167 = arith.constant 0 : i32
        %dma_start3A_168 = tpu.memref_slice %arg11[%dma_start3A_166, %dma_start3A_167] : memref<5248x128xf32, #tpu.memory_space<vmem_shared>> -> memref<5248x128xf32, #tpu.memory_space<vmem_shared>>
        tpu.enqueue_indirect_dma source(%dma_start3A_162 : memref<100x128xf32, #tpu.memory_space<vmem>>) target(%dma_start3A_168 : memref<5248x128xf32, #tpu.memory_space<vmem_shared>>) offsets(%dma_start3A_165 : memref<100xi32, #tpu.memory_space<vmem>>) semaphore(%arg14 : memref<!tpu.dma_semaphore, #tpu.memory_space<semaphore_mem>>) {add = true}
        %mul3A_169 = arith.constant 2 : i32
        %mul3A_170 = arith.muli %add3A_78, %mul3A_169 : i32
        %add3A_171 = arith.constant 1 : i32
        %add3A_172 = arith.addi %mul3A_170, %add3A_171 : i32
        %dma_start3A_173 = arith.constant 100 : i32
        %dma_start3A_174 = arith.constant 0 : i32
        %dma_start3A_175 = tpu.memref_slice %arg8[%dma_start3A_173, %dma_start3A_174] : memref<200x128xf32, #tpu.memory_space<vmem>> -> memref<100x128xf32, #tpu.memory_space<vmem>>
        %dma_start3A_176 = arith.constant 0 : i32
        %dma_start3A_177 = tpu.memref_slice %arg9[%add3A_172, %dma_start3A_176] : memref<208x100xi32, #tpu.memory_space<vmem>> -> memref<1x100xi32, #tpu.memory_space<vmem>>
        %dma_start3A_178 = tpu.memref_squeeze %dma_start3A_177 : memref<1x100xi32, #tpu.memory_space<vmem>> -> memref<100xi32, #tpu.memory_space<vmem>>
        %dma_start3A_179 = arith.constant 0 : i32
        %dma_start3A_180 = arith.constant 0 : i32
        %dma_start3A_181 = tpu.memref_slice %arg11[%dma_start3A_179, %dma_start3A_180] : memref<5248x128xf32, #tpu.memory_space<vmem_shared>> -> memref<5248x128xf32, #tpu.memory_space<vmem_shared>>
        tpu.enqueue_indirect_dma source(%dma_start3A_175 : memref<100x128xf32, #tpu.memory_space<vmem>>) target(%dma_start3A_181 : memref<5248x128xf32, #tpu.memory_space<vmem_shared>>) offsets(%dma_start3A_178 : memref<100xi32, #tpu.memory_space<vmem>>) semaphore(%arg14 : memref<!tpu.dma_semaphore, #tpu.memory_space<semaphore_mem>>) {add = true}
        %mul3A_182 = arith.constant 2 : i32
        %mul3A_183 = arith.muli %add3A_78, %mul3A_182 : i32
        %add3A_184 = arith.constant 0 : i32
        %add3A_185 = arith.addi %mul3A_183, %add3A_184 : i32
        %dma_wait3A_186 = arith.constant 0 : i32
        %dma_wait3A_187 = arith.constant 0 : i32
        %dma_wait3A_188 = tpu.memref_slice %arg8[%dma_wait3A_186, %dma_wait3A_187] : memref<200x128xf32, #tpu.memory_space<vmem>> -> memref<100x128xf32, #tpu.memory_space<vmem>>
        %dma_wait3A_189 = arith.constant 0 : i32
        %dma_wait3A_190 = tpu.memref_slice %arg9[%add3A_185, %dma_wait3A_189] : memref<208x100xi32, #tpu.memory_space<vmem>> -> memref<1x100xi32, #tpu.memory_space<vmem>>
        %dma_wait3A_191 = tpu.memref_squeeze %dma_wait3A_190 : memref<1x100xi32, #tpu.memory_space<vmem>> -> memref<100xi32, #tpu.memory_space<vmem>>
        %dma_wait3A_192 = arith.constant 0 : i32
        %dma_wait3A_193 = arith.constant 0 : i32
        %dma_wait3A_194 = tpu.memref_slice %arg11[%dma_wait3A_192, %dma_wait3A_193] : memref<5248x128xf32, #tpu.memory_space<vmem_shared>> -> memref<5248x128xf32, #tpu.memory_space<vmem_shared>>
        tpu.wait_indirect_dma semaphore(%arg14 : memref<!tpu.dma_semaphore, #tpu.memory_space<semaphore_mem>>) src(%dma_wait3A_188 : memref<100x128xf32, #tpu.memory_space<vmem>>) dst(%dma_wait3A_194 : memref<5248x128xf32, #tpu.memory_space<vmem_shared>>)
        %mul3A_195 = arith.constant 2 : i32
        %mul3A_196 = arith.muli %add3A_78, %mul3A_195 : i32
        %add3A_197 = arith.constant 1 : i32
        %add3A_198 = arith.addi %mul3A_196, %add3A_197 : i32
        %dma_wait3A_199 = arith.constant 100 : i32
        %dma_wait3A_200 = arith.constant 0 : i32
        %dma_wait3A_201 = tpu.memref_slice %arg8[%dma_wait3A_199, %dma_wait3A_200] : memref<200x128xf32, #tpu.memory_space<vmem>> -> memref<100x128xf32, #tpu.memory_space<vmem>>
        %dma_wait3A_202 = arith.constant 0 : i32
        %dma_wait3A_203 = tpu.memref_slice %arg9[%add3A_198, %dma_wait3A_202] : memref<208x100xi32, #tpu.memory_space<vmem>> -> memref<1x100xi32, #tpu.memory_space<vmem>>
        %dma_wait3A_204 = tpu.memref_squeeze %dma_wait3A_203 : memref<1x100xi32, #tpu.memory_space<vmem>> -> memref<100xi32, #tpu.memory_space<vmem>>
        %dma_wait3A_205 = arith.constant 0 : i32
        %dma_wait3A_206 = arith.constant 0 : i32
        %dma_wait3A_207 = tpu.memref_slice %arg11[%dma_wait3A_205, %dma_wait3A_206] : memref<5248x128xf32, #tpu.memory_space<vmem_shared>> -> memref<5248x128xf32, #tpu.memory_space<vmem_shared>>
        tpu.wait_indirect_dma semaphore(%arg14 : memref<!tpu.dma_semaphore, #tpu.memory_space<semaphore_mem>>) src(%dma_wait3A_201 : memref<100x128xf32, #tpu.memory_space<vmem>>) dst(%dma_wait3A_207 : memref<5248x128xf32, #tpu.memory_space<vmem_shared>>)
      }
      %while3A_73 = arith.constant 1 : i32
      scf.for %while3A_74 = %while3A_71 to %while3A_67 step %while3A_73  : i32 {
        %mul3A_75 = arith.constant 2 : i32
        %mul3A_76 = arith.muli %mul3A_75, %while3A_74 : i32
        %add3A_77 = arith.constant 1 : i32
        %add3A_78 = arith.addi %mul3A_76, %add3A_77 : i32
        %mul3A_79 = arith.constant 200 : i32
        %mul3A_80 = arith.muli %add3A_78, %mul3A_79 : i32
        %add3A_81 = arith.addi %multiple_of3A, %mul3A_80 : i32
        %dma_start3A_82 = arith.constant 0 : i32
        %dma_start3A_83 = tpu.memref_slice %arg2[%add3A_81, %dma_start3A_82] : memref<320000x128xf32, #tpu.memory_space<hbm>> -> memref<200x128xf32, #tpu.memory_space<hbm>>
        %dma_start3A_84 = arith.constant 0 : i32
        %dma_start3A_85 = tpu.memref_slice %arg2[%add3A_81, %dma_start3A_84] : memref<320000x128xf32, #tpu.memory_space<hbm>> -> memref<200x128xf32, #tpu.memory_space<hbm>>
        tpu.enqueue_dma source(%dma_start3A_85 : memref<200x128xf32, #tpu.memory_space<hbm>>) target(%arg8 : memref<200x128xf32, #tpu.memory_space<vmem>>) target_semaphore(%arg13 : memref<!tpu.dma_semaphore, #tpu.memory_space<semaphore_mem>>)
        %mul3A_86 = arith.constant 200 : i32
        %mul3A_87 = arith.muli %mul3A_76, %mul3A_86 : i32
        %add3A_88 = arith.addi %multiple_of3A, %mul3A_87 : i32
        %dma_wait3A = arith.constant 0 : i32
        %dma_wait3A_89 = tpu.memref_slice %arg2[%add3A_88, %dma_wait3A] : memref<320000x128xf32, #tpu.memory_space<hbm>> -> memref<200x128xf32, #tpu.memory_space<hbm>>
        %dma_wait3A_90 = arith.constant 0 : i32
        %dma_wait3A_91 = tpu.memref_slice %arg2[%add3A_88, %dma_wait3A_90] : memref<320000x128xf32, #tpu.memory_space<hbm>> -> memref<200x128xf32, #tpu.memory_space<hbm>>
        tpu.wait_dma2 semaphore(%arg12 : memref<!tpu.dma_semaphore, #tpu.memory_space<semaphore_mem>>) src(%dma_wait3A_91 : memref<200x128xf32, #tpu.memory_space<hbm>>) dst(%arg7 : memref<200x128xf32, #tpu.memory_space<vmem>>)
        %mul3A_92 = arith.constant 2 : i32
        %mul3A_93 = arith.muli %mul3A_76, %mul3A_92 : i32
        %add3A_94 = arith.constant 0 : i32
        %add3A_95 = arith.addi %mul3A_93, %add3A_94 : i32
        %dma_start3A_96 = arith.constant 0 : i32
        %dma_start3A_97 = arith.constant 0 : i32
        %dma_start3A_98 = tpu.memref_slice %arg7[%dma_start3A_96, %dma_start3A_97] : memref<200x128xf32, #tpu.memory_space<vmem>> -> memref<100x128xf32, #tpu.memory_space<vmem>>
        %dma_start3A_99 = arith.constant 0 : i32
        %dma_start3A_100 = tpu.memref_slice %arg9[%add3A_95, %dma_start3A_99] : memref<208x100xi32, #tpu.memory_space<vmem>> -> memref<1x100xi32, #tpu.memory_space<vmem>>
        %dma_start3A_101 = tpu.memref_squeeze %dma_start3A_100 : memref<1x100xi32, #tpu.memory_space<vmem>> -> memref<100xi32, #tpu.memory_space<vmem>>
        %dma_start3A_102 = arith.constant 0 : i32
        %dma_start3A_103 = arith.constant 0 : i32
        %dma_start3A_104 = tpu.memref_slice %arg11[%dma_start3A_102, %dma_start3A_103] : memref<5248x128xf32, #tpu.memory_space<vmem_shared>> -> memref<5248x128xf32, #tpu.memory_space<vmem_shared>>
        tpu.enqueue_indirect_dma source(%dma_start3A_98 : memref<100x128xf32, #tpu.memory_space<vmem>>) target(%dma_start3A_104 : memref<5248x128xf32, #tpu.memory_space<vmem_shared>>) offsets(%dma_start3A_101 : memref<100xi32, #tpu.memory_space<vmem>>) semaphore(%arg14 : memref<!tpu.dma_semaphore, #tpu.memory_space<semaphore_mem>>) {add = true}
        %mul3A_105 = arith.constant 2 : i32
        %mul3A_106 = arith.muli %mul3A_76, %mul3A_105 : i32
        %add3A_107 = arith.constant 1 : i32
        %add3A_108 = arith.addi %mul3A_106, %add3A_107 : i32
        %dma_start3A_109 = arith.constant 100 : i32
        %dma_start3A_110 = arith.constant 0 : i32
        %dma_start3A_111 = tpu.memref_slice %arg7[%dma_start3A_109, %dma_start3A_110] : memref<200x128xf32, #tpu.memory_space<vmem>> -> memref<100x128xf32, #tpu.memory_space<vmem>>
        %dma_start3A_112 = arith.constant 0 : i32
        %dma_start3A_113 = tpu.memref_slice %arg9[%add3A_108, %dma_start3A_112] : memref<208x100xi32, #tpu.memory_space<vmem>> -> memref<1x100xi32, #tpu.memory_space<vmem>>
        %dma_start3A_114 = tpu.memref_squeeze %dma_start3A_113 : memref<1x100xi32, #tpu.memory_space<vmem>> -> memref<100xi32, #tpu.memory_space<vmem>>
        %dma_start3A_115 = arith.constant 0 : i32
        %dma_start3A_116 = arith.constant 0 : i32
        %dma_start3A_117 = tpu.memref_slice %arg11[%dma_start3A_115, %dma_start3A_116] : memref<5248x128xf32, #tpu.memory_space<vmem_shared>> -> memref<5248x128xf32, #tpu.memory_space<vmem_shared>>
        tpu.enqueue_indirect_dma source(%dma_start3A_111 : memref<100x128xf32, #tpu.memory_space<vmem>>) target(%dma_start3A_117 : memref<5248x128xf32, #tpu.memory_space<vmem_shared>>) offsets(%dma_start3A_114 : memref<100xi32, #tpu.memory_space<vmem>>) semaphore(%arg14 : memref<!tpu.dma_semaphore, #tpu.memory_space<semaphore_mem>>) {add = true}
        %mul3A_118 = arith.constant 2 : i32
        %mul3A_119 = arith.muli %mul3A_76, %mul3A_118 : i32
        %add3A_120 = arith.constant 0 : i32
        %add3A_121 = arith.addi %mul3A_119, %add3A_120 : i32
        %dma_wait3A_122 = arith.constant 0 : i32
        %dma_wait3A_123 = arith.constant 0 : i32
        %dma_wait3A_124 = tpu.memref_slice %arg7[%dma_wait3A_122, %dma_wait3A_123] : memref<200x128xf32, #tpu.memory_space<vmem>> -> memref<100x128xf32, #tpu.memory_space<vmem>>
        %dma_wait3A_125 = arith.constant 0 : i32
        %dma_wait3A_126 = tpu.memref_slice %arg9[%add3A_121, %dma_wait3A_125] : memref<208x100xi32, #tpu.memory_space<vmem>> -> memref<1x100xi32, #tpu.memory_space<vmem>>
        %dma_wait3A_127 = tpu.memref_squeeze %dma_wait3A_126 : memref<1x100xi32, #tpu.memory_space<vmem>> -> memref<100xi32, #tpu.memory_space<vmem>>
        %dma_wait3A_128 = arith.constant 0 : i32
        %dma_wait3A_129 = arith.constant 0 : i32
        %dma_wait3A_130 = tpu.memref_slice %arg11[%dma_wait3A_128, %dma_wait3A_129] : memref<5248x128xf32, #tpu.memory_space<vmem_shared>> -> memref<5248x128xf32, #tpu.memory_space<vmem_shared>>
        tpu.wait_indirect_dma semaphore(%arg14 : memref<!tpu.dma_semaphore, #tpu.memory_space<semaphore_mem>>) src(%dma_wait3A_124 : memref<100x128xf32, #tpu.memory_space<vmem>>) dst(%dma_wait3A_130 : memref<5248x128xf32, #tpu.memory_space<vmem_shared>>)
        %mul3A_131 = arith.constant 2 : i32
        %mul3A_132 = arith.muli %mul3A_76, %mul3A_131 : i32
        %add3A_133 = arith.constant 1 : i32
        %add3A_134 = arith.addi %mul3A_132, %add3A_133 : i32
        %dma_wait3A_135 = arith.constant 100 : i32
        %dma_wait3A_136 = arith.constant 0 : i32
        %dma_wait3A_137 = tpu.memref_slice %arg7[%dma_wait3A_135, %dma_wait3A_136] : memref<200x128xf32, #tpu.memory_space<vmem>> -> memref<100x128xf32, #tpu.memory_space<vmem>>
        %dma_wait3A_138 = arith.constant 0 : i32
        %dma_wait3A_139 = tpu.memref_slice %arg9[%add3A_134, %dma_wait3A_138] : memref<208x100xi32, #tpu.memory_space<vmem>> -> memref<1x100xi32, #tpu.memory_space<vmem>>
        %dma_wait3A_140 = tpu.memref_squeeze %dma_wait3A_139 : memref<1x100xi32, #tpu.memory_space<vmem>> -> memref<100xi32, #tpu.memory_space<vmem>>
        %dma_wait3A_141 = arith.constant 0 : i32
        %dma_wait3A_142 = arith.constant 0 : i32
        %dma_wait3A_143 = tpu.memref_slice %arg11[%dma_wait3A_141, %dma_wait3A_142] : memref<5248x128xf32, #tpu.memory_space<vmem_shared>> -> memref<5248x128xf32, #tpu.memory_space<vmem_shared>>
        tpu.wait_indirect_dma semaphore(%arg14 : memref<!tpu.dma_semaphore, #tpu.memory_space<semaphore_mem>>) src(%dma_wait3A_137 : memref<100x128xf32, #tpu.memory_space<vmem>>) dst(%dma_wait3A_143 : memref<5248x128xf32, #tpu.memory_space<vmem_shared>>)
        %add3A_144 = arith.constant 1 : i32
        %add3A_145 = arith.addi %while3A_74, %add3A_144 : i32
        %lt3A = arith.cmpi slt, %add3A_145, %select_n3A : i32
        %convert_element_type3A_146 = arith.extui %lt3A : i1 to i32
        %cond3A_147 = arith.constant 0 : i32
        %cond3A_148 = arith.cmpi ne, %convert_element_type3A_146, %cond3A_147 : i32
        scf.if %cond3A_148 {
          %add3A_208 = arith.constant 2 : i32
          %add3A_209 = arith.addi %mul3A_76, %add3A_208 : i32
          %mul3A_210 = arith.constant 200 : i32
          %mul3A_211 = arith.muli %add3A_209, %mul3A_210 : i32
          %add3A_212 = arith.addi %multiple_of3A, %mul3A_211 : i32
          %dma_start3A_213 = arith.constant 0 : i32
          %dma_start3A_214 = tpu.memref_slice %arg2[%add3A_212, %dma_start3A_213] : memref<320000x128xf32, #tpu.memory_space<hbm>> -> memref<200x128xf32, #tpu.memory_space<hbm>>
          %dma_start3A_215 = arith.constant 0 : i32
          %dma_start3A_216 = tpu.memref_slice %arg2[%add3A_212, %dma_start3A_215] : memref<320000x128xf32, #tpu.memory_space<hbm>> -> memref<200x128xf32, #tpu.memory_space<hbm>>
          tpu.enqueue_dma source(%dma_start3A_216 : memref<200x128xf32, #tpu.memory_space<hbm>>) target(%arg7 : memref<200x128xf32, #tpu.memory_space<vmem>>) target_semaphore(%arg12 : memref<!tpu.dma_semaphore, #tpu.memory_space<semaphore_mem>>)
        } else {
        }
        %mul3A_149 = arith.constant 200 : i32
        %mul3A_150 = arith.muli %add3A_78, %mul3A_149 : i32
        %add3A_151 = arith.addi %multiple_of3A, %mul3A_150 : i32
        %dma_wait3A_152 = arith.constant 0 : i32
        %dma_wait3A_153 = tpu.memref_slice %arg2[%add3A_151, %dma_wait3A_152] : memref<320000x128xf32, #tpu.memory_space<hbm>> -> memref<200x128xf32, #tpu.memory_space<hbm>>
        %dma_wait3A_154 = arith.constant 0 : i32
        %dma_wait3A_155 = tpu.memref_slice %arg2[%add3A_151, %dma_wait3A_154] : memref<320000x128xf32, #tpu.memory_space<hbm>> -> memref<200x128xf32, #tpu.memory_space<hbm>>
        tpu.wait_dma2 semaphore(%arg13 : memref<!tpu.dma_semaphore, #tpu.memory_space<semaphore_mem>>) src(%dma_wait3A_155 : memref<200x128xf32, #tpu.memory_space<hbm>>) dst(%arg8 : memref<200x128xf32, #tpu.memory_space<vmem>>)
        %mul3A_156 = arith.constant 2 : i32
        %mul3A_157 = arith.muli %add3A_78, %mul3A_156 : i32
        %add3A_158 = arith.constant 0 : i32
        %add3A_159 = arith.addi %mul3A_157, %add3A_158 : i32
        %dma_start3A_160 = arith.constant 0 : i32
        %dma_start3A_161 = arith.constant 0 : i32
        %dma_start3A_162 = tpu.memref_slice %arg8[%dma_start3A_160, %dma_start3A_161] : memref<200x128xf32, #tpu.memory_space<vmem>> -> memref<100x128xf32, #tpu.memory_space<vmem>>
        %dma_start3A_163 = arith.constant 0 : i32
        %dma_start3A_164 = tpu.memref_slice %arg9[%add3A_159, %dma_start3A_163] : memref<208x100xi32, #tpu.memory_space<vmem>> -> memref<1x100xi32, #tpu.memory_space<vmem>>
        %dma_start3A_165 = tpu.memref_squeeze %dma_start3A_164 : memref<1x100xi32, #tpu.memory_space<vmem>> -> memref<100xi32, #tpu.memory_space<vmem>>
        %dma_start3A_166 = arith.constant 0 : i32
        %dma_start3A_167 = arith.constant 0 : i32
        %dma_start3A_168 = tpu.memref_slice %arg11[%dma_start3A_166, %dma_start3A_167] : memref<5248x128xf32, #tpu.memory_space<vmem_shared>> -> memref<5248x128xf32, #tpu.memory_space<vmem_shared>>
        tpu.enqueue_indirect_dma source(%dma_start3A_162 : memref<100x128xf32, #tpu.memory_space<vmem>>) target(%dma_start3A_168 : memref<5248x128xf32, #tpu.memory_space<vmem_shared>>) offsets(%dma_start3A_165 : memref<100xi32, #tpu.memory_space<vmem>>) semaphore(%arg14 : memref<!tpu.dma_semaphore, #tpu.memory_space<semaphore_mem>>) {add = true}
        %mul3A_169 = arith.constant 2 : i32
        %mul3A_170 = arith.muli %add3A_78, %mul3A_169 : i32
        %add3A_171 = arith.constant 1 : i32
        %add3A_172 = arith.addi %mul3A_170, %add3A_171 : i32
        %dma_start3A_173 = arith.constant 100 : i32
        %dma_start3A_174 = arith.constant 0 : i32
        %dma_start3A_175 = tpu.memref_slice %arg8[%dma_start3A_173, %dma_start3A_174] : memref<200x128xf32, #tpu.memory_space<vmem>> -> memref<100x128xf32, #tpu.memory_space<vmem>>
        %dma_start3A_176 = arith.constant 0 : i32
        %dma_start3A_177 = tpu.memref_slice %arg9[%add3A_172, %dma_start3A_176] : memref<208x100xi32, #tpu.memory_space<vmem>> -> memref<1x100xi32, #tpu.memory_space<vmem>>
        %dma_start3A_178 = tpu.memref_squeeze %dma_start3A_177 : memref<1x100xi32, #tpu.memory_space<vmem>> -> memref<100xi32, #tpu.memory_space<vmem>>
        %dma_start3A_179 = arith.constant 0 : i32
        %dma_start3A_180 = arith.constant 0 : i32
        %dma_start3A_181 = tpu.memref_slice %arg11[%dma_start3A_179, %dma_start3A_180] : memref<5248x128xf32, #tpu.memory_space<vmem_shared>> -> memref<5248x128xf32, #tpu.memory_space<vmem_shared>>
        tpu.enqueue_indirect_dma source(%dma_start3A_175 : memref<100x128xf32, #tpu.memory_space<vmem>>) target(%dma_start3A_181 : memref<5248x128xf32, #tpu.memory_space<vmem_shared>>) offsets(%dma_start3A_178 : memref<100xi32, #tpu.memory_space<vmem>>) semaphore(%arg14 : memref<!tpu.dma_semaphore, #tpu.memory_space<semaphore_mem>>) {add = true}
        %mul3A_182 = arith.constant 2 : i32
        %mul3A_183 = arith.muli %add3A_78, %mul3A_182 : i32
        %add3A_184 = arith.constant 0 : i32
        %add3A_185 = arith.addi %mul3A_183, %add3A_184 : i32
        %dma_wait3A_186 = arith.constant 0 : i32
        %dma_wait3A_187 = arith.constant 0 : i32
        %dma_wait3A_188 = tpu.memref_slice %arg8[%dma_wait3A_186, %dma_wait3A_187] : memref<200x128xf32, #tpu.memory_space<vmem>> -> memref<100x128xf32, #tpu.memory_space<vmem>>
        %dma_wait3A_189 = arith.constant 0 : i32
        %dma_wait3A_190 = tpu.memref_slice %arg9[%add3A_185, %dma_wait3A_189] : memref<208x100xi32, #tpu.memory_space<vmem>> -> memref<1x100xi32, #tpu.memory_space<vmem>>
        %dma_wait3A_191 = tpu.memref_squeeze %dma_wait3A_190 : memref<1x100xi32, #tpu.memory_space<vmem>> -> memref<100xi32, #tpu.memory_space<vmem>>
        %dma_wait3A_192 = arith.constant 0 : i32
        %dma_wait3A_193 = arith.constant 0 : i32
        %dma_wait3A_194 = tpu.memref_slice %arg11[%dma_wait3A_192, %dma_wait3A_193] : memref<5248x128xf32, #tpu.memory_space<vmem_shared>> -> memref<5248x128xf32, #tpu.memory_space<vmem_shared>>
        tpu.wait_indirect_dma semaphore(%arg14 : memref<!tpu.dma_semaphore, #tpu.memory_space<semaphore_mem>>) src(%dma_wait3A_188 : memref<100x128xf32, #tpu.memory_space<vmem>>) dst(%dma_wait3A_194 : memref<5248x128xf32, #tpu.memory_space<vmem_shared>>)
        %mul3A_195 = arith.constant 2 : i32
        %mul3A_196 = arith.muli %add3A_78, %mul3A_195 : i32
        %add3A_197 = arith.constant 1 : i32
        %add3A_198 = arith.addi %mul3A_196, %add3A_197 : i32
        %dma_wait3A_199 = arith.constant 100 : i32
        %dma_wait3A_200 = arith.constant 0 : i32
        %dma_wait3A_201 = tpu.memref_slice %arg8[%dma_wait3A_199, %dma_wait3A_200] : memref<200x128xf32, #tpu.memory_space<vmem>> -> memref<100x128xf32, #tpu.memory_space<vmem>>
        %dma_wait3A_202 = arith.constant 0 : i32
        %dma_wait3A_203 = tpu.memref_slice %arg9[%add3A_198, %dma_wait3A_202] : memref<208x100xi32, #tpu.memory_space<vmem>> -> memref<1x100xi32, #tpu.memory_space<vmem>>
        %dma_wait3A_204 = tpu.memref_squeeze %dma_wait3A_203 : memref<1x100xi32, #tpu.memory_space<vmem>> -> memref<100xi32, #tpu.memory_space<vmem>>
        %dma_wait3A_205 = arith.constant 0 : i32
        %dma_wait3A_206 = arith.constant 0 : i32
        %dma_wait3A_207 = tpu.memref_slice %arg11[%dma_wait3A_205, %dma_wait3A_206] : memref<5248x128xf32, #tpu.memory_space<vmem_shared>> -> memref<5248x128xf32, #tpu.memory_space<vmem_shared>>
        tpu.wait_indirect_dma semaphore(%arg14 : memref<!tpu.dma_semaphore, #tpu.memory_space<semaphore_mem>>) src(%dma_wait3A_201 : memref<100x128xf32, #tpu.memory_space<vmem>>) dst(%dma_wait3A_207 : memref<5248x128xf32, #tpu.memory_space<vmem_shared>>)
      }
    } else {
    }
    %barrier3A_46 = arith.constant 0 : index
    tpu.barrier barrier_id(%barrier3A_46)
    %mul3A_47 = arith.constant 5248 : i32
    %mul3A_48 = arith.muli %arg0, %mul3A_47 : i32
    %mul3A_49 = arith.constant 328 : i32
    %mul3A_50 = arith.muli %arg1, %mul3A_49 : i32
    %add3A_51 = arith.addi %mul3A_48, %mul3A_50 : i32
    %mul3A_52 = arith.constant 328 : i32
    %mul3A_53 = arith.muli %arg1, %mul3A_52 : i32
    "tpu.region"() ({
      %run_scoped3A = tpu.sem_alloc : memref<!tpu.dma_semaphore, #tpu.memory_space<semaphore_mem>>
      %dma_start3A = arith.constant 0 : i32
      %dma_start3A_60 = arith.constant 0 : i32
      %dma_start3A_61 = tpu.memref_slice %arg7[%dma_start3A, %dma_start3A_60] : memref<200x128xf32, #tpu.memory_space<vmem>> -> memref<200x128xf32, #tpu.memory_space<vmem>>
      %dma_start3A_62 = arith.constant 0 : i32
      %dma_start3A_63 = tpu.memref_slice %arg11[%mul3A_53, %dma_start3A_62] : memref<5248x128xf32, #tpu.memory_space<vmem_shared>> -> memref<200x128xf32, #tpu.memory_space<vmem_shared>>
      %dma_start3A_64 = arith.constant 0 : i32
      %dma_start3A_65 = arith.constant 0 : i32
      %dma_start3A_66 = tpu.memref_slice %arg7[%dma_start3A_64, %dma_start3A_65] : memref<200x128xf32, #tpu.memory_space<vmem>> -> memref<200x128xf32, #tpu.memory_space<vmem>>
      %dma_start3A_67 = arith.constant 0 : i32
      %dma_start3A_68 = tpu.memref_slice %arg11[%mul3A_53, %dma_start3A_67] : memref<5248x128xf32, #tpu.memory_space<vmem_shared>> -> memref<200x128xf32, #tpu.memory_space<vmem_shared>>
      tpu.enqueue_dma source(%dma_start3A_68 : memref<200x128xf32, #tpu.memory_space<vmem_shared>>) target(%dma_start3A_66 : memref<200x128xf32, #tpu.memory_space<vmem>>) target_semaphore(%run_scoped3A : memref<!tpu.dma_semaphore, #tpu.memory_space<semaphore_mem>>)
      %dma_wait3A = arith.constant 0 : i32
      %dma_wait3A_69 = arith.constant 0 : i32
      %dma_wait3A_70 = tpu.memref_slice %arg7[%dma_wait3A, %dma_wait3A_69] : memref<200x128xf32, #tpu.memory_space<vmem>> -> memref<200x128xf32, #tpu.memory_space<vmem>>
      %dma_wait3A_71 = arith.constant 0 : i32
      %dma_wait3A_72 = tpu.memref_slice %arg11[%mul3A_53, %dma_wait3A_71] : memref<5248x128xf32, #tpu.memory_space<vmem_shared>> -> memref<200x128xf32, #tpu.memory_space<vmem_shared>>
      %dma_wait3A_73 = arith.constant 0 : i32
      %dma_wait3A_74 = arith.constant 0 : i32
      %dma_wait3A_75 = tpu.memref_slice %arg7[%dma_wait3A_73, %dma_wait3A_74] : memref<200x128xf32, #tpu.memory_space<vmem>> -> memref<200x128xf32, #tpu.memory_space<vmem>>
      %dma_wait3A_76 = arith.constant 0 : i32
      %dma_wait3A_77 = tpu.memref_slice %arg11[%mul3A_53, %dma_wait3A_76] : memref<5248x128xf32, #tpu.memory_space<vmem_shared>> -> memref<200x128xf32, #tpu.memory_space<vmem_shared>>
      tpu.wait_dma2 semaphore(%run_scoped3A : memref<!tpu.dma_semaphore, #tpu.memory_space<semaphore_mem>>) src(%dma_wait3A_77 : memref<200x128xf32, #tpu.memory_space<vmem_shared>>) dst(%dma_wait3A_75 : memref<200x128xf32, #tpu.memory_space<vmem>>)
      tpu.yield
    }) : () -> ()
    "tpu.region"() ({
      %run_scoped3A = tpu.sem_alloc : memref<!tpu.dma_semaphore, #tpu.memory_space<semaphore_mem>>
      %dma_start3A = arith.constant 0 : i32
      %dma_start3A_60 = arith.constant 0 : i32
      %dma_start3A_61 = tpu.memref_slice %arg7[%dma_start3A, %dma_start3A_60] : memref<200x128xf32, #tpu.memory_space<vmem>> -> memref<200x128xf32, #tpu.memory_space<vmem>>
      %dma_start3A_62 = arith.constant 0 : i32
      %dma_start3A_63 = tpu.memref_slice %arg6[%add3A_51, %dma_start3A_62] : memref<10496x128xf32, #tpu.memory_space<hbm>> -> memref<200x128xf32, #tpu.memory_space<hbm>>
      %dma_start3A_64 = arith.constant 0 : i32
      %dma_start3A_65 = tpu.memref_slice %arg6[%add3A_51, %dma_start3A_64] : memref<10496x128xf32, #tpu.memory_space<hbm>> -> memref<200x128xf32, #tpu.memory_space<hbm>>
      %dma_start3A_66 = arith.constant 0 : i32
      %dma_start3A_67 = arith.constant 0 : i32
      %dma_start3A_68 = tpu.memref_slice %arg7[%dma_start3A_66, %dma_start3A_67] : memref<200x128xf32, #tpu.memory_space<vmem>> -> memref<200x128xf32, #tpu.memory_space<vmem>>
      tpu.enqueue_dma source(%dma_start3A_68 : memref<200x128xf32, #tpu.memory_space<vmem>>) target(%dma_start3A_65 : memref<200x128xf32, #tpu.memory_space<hbm>>) target_semaphore(%run_scoped3A : memref<!tpu.dma_semaphore, #tpu.memory_space<semaphore_mem>>)
      %dma_wait3A = arith.constant 0 : i32
      %dma_wait3A_69 = arith.constant 0 : i32
      %dma_wait3A_70 = tpu.memref_slice %arg7[%dma_wait3A, %dma_wait3A_69] : memref<200x128xf32, #tpu.memory_space<vmem>> -> memref<200x128xf32, #tpu.memory_space<vmem>>
      %dma_wait3A_71 = arith.constant 0 : i32
      %dma_wait3A_72 = tpu.memref_slice %arg6[%add3A_51, %dma_wait3A_71] : memref<10496x128xf32, #tpu.memory_space<hbm>> -> memref<200x128xf32, #tpu.memory_space<hbm>>
      %dma_wait3A_73 = arith.constant 0 : i32
      %dma_wait3A_74 = tpu.memref_slice %arg6[%add3A_51, %dma_wait3A_73] : memref<10496x128xf32, #tpu.memory_space<hbm>> -> memref<200x128xf32, #tpu.memory_space<hbm>>
      %dma_wait3A_75 = arith.constant 0 : i32
      %dma_wait3A_76 = arith.constant 0 : i32
      %dma_wait3A_77 = tpu.memref_slice %arg7[%dma_wait3A_75, %dma_wait3A_76] : memref<200x128xf32, #tpu.memory_space<vmem>> -> memref<200x128xf32, #tpu.memory_space<vmem>>
      tpu.wait_dma2 semaphore(%run_scoped3A : memref<!tpu.dma_semaphore, #tpu.memory_space<semaphore_mem>>) src(%dma_wait3A_77 : memref<200x128xf32, #tpu.memory_space<vmem>>) dst(%dma_wait3A_74 : memref<200x128xf32, #tpu.memory_space<hbm>>)
      tpu.yield
    }) : () -> ()
    %mul3A_54 = arith.constant 328 : i32
    %mul3A_55 = arith.muli %arg1, %mul3A_54 : i32
    %add3A_56 = arith.constant 200 : i32
    %add3A_57 = arith.addi %mul3A_55, %add3A_56 : i32
    "tpu.region"() ({
      %run_scoped3A = tpu.sem_alloc : memref<!tpu.dma_semaphore, #tpu.memory_space<semaphore_mem>>
      %dma_start3A = arith.constant 0 : i32
      %dma_start3A_60 = arith.constant 0 : i32
      %dma_start3A_61 = tpu.memref_slice %arg8[%dma_start3A, %dma_start3A_60] : memref<200x128xf32, #tpu.memory_space<vmem>> -> memref<128x128xf32, #tpu.memory_space<vmem>>
      %dma_start3A_62 = arith.constant 0 : i32
      %dma_start3A_63 = tpu.memref_slice %arg11[%add3A_57, %dma_start3A_62] : memref<5248x128xf32, #tpu.memory_space<vmem_shared>> -> memref<128x128xf32, #tpu.memory_space<vmem_shared>>
      %dma_start3A_64 = arith.constant 0 : i32
      %dma_start3A_65 = arith.constant 0 : i32
      %dma_start3A_66 = tpu.memref_slice %arg8[%dma_start3A_64, %dma_start3A_65] : memref<200x128xf32, #tpu.memory_space<vmem>> -> memref<128x128xf32, #tpu.memory_space<vmem>>
      %dma_start3A_67 = arith.constant 0 : i32
      %dma_start3A_68 = tpu.memref_slice %arg11[%add3A_57, %dma_start3A_67] : memref<5248x128xf32, #tpu.memory_space<vmem_shared>> -> memref<128x128xf32, #tpu.memory_space<vmem_shared>>
      tpu.enqueue_dma source(%dma_start3A_68 : memref<128x128xf32, #tpu.memory_space<vmem_shared>>) target(%dma_start3A_66 : memref<128x128xf32, #tpu.memory_space<vmem>>) target_semaphore(%run_scoped3A : memref<!tpu.dma_semaphore, #tpu.memory_space<semaphore_mem>>)
      %dma_wait3A = arith.constant 0 : i32
      %dma_wait3A_69 = arith.constant 0 : i32
      %dma_wait3A_70 = tpu.memref_slice %arg8[%dma_wait3A, %dma_wait3A_69] : memref<200x128xf32, #tpu.memory_space<vmem>> -> memref<128x128xf32, #tpu.memory_space<vmem>>
      %dma_wait3A_71 = arith.constant 0 : i32
      %dma_wait3A_72 = tpu.memref_slice %arg11[%add3A_57, %dma_wait3A_71] : memref<5248x128xf32, #tpu.memory_space<vmem_shared>> -> memref<128x128xf32, #tpu.memory_space<vmem_shared>>
      %dma_wait3A_73 = arith.constant 0 : i32
      %dma_wait3A_74 = arith.constant 0 : i32
      %dma_wait3A_75 = tpu.memref_slice %arg8[%dma_wait3A_73, %dma_wait3A_74] : memref<200x128xf32, #tpu.memory_space<vmem>> -> memref<128x128xf32, #tpu.memory_space<vmem>>
      %dma_wait3A_76 = arith.constant 0 : i32
      %dma_wait3A_77 = tpu.memref_slice %arg11[%add3A_57, %dma_wait3A_76] : memref<5248x128xf32, #tpu.memory_space<vmem_shared>> -> memref<128x128xf32, #tpu.memory_space<vmem_shared>>
      tpu.wait_dma2 semaphore(%run_scoped3A : memref<!tpu.dma_semaphore, #tpu.memory_space<semaphore_mem>>) src(%dma_wait3A_77 : memref<128x128xf32, #tpu.memory_space<vmem_shared>>) dst(%dma_wait3A_75 : memref<128x128xf32, #tpu.memory_space<vmem>>)
      tpu.yield
    }) : () -> ()
    %add3A_58 = arith.constant 200 : i32
    %add3A_59 = arith.addi %add3A_51, %add3A_58 : i32
    "tpu.region"() ({
      %run_scoped3A = tpu.sem_alloc : memref<!tpu.dma_semaphore, #tpu.memory_space<semaphore_mem>>
      %dma_start3A = arith.constant 0 : i32
      %dma_start3A_60 = arith.constant 0 : i32
      %dma_start3A_61 = tpu.memref_slice %arg8[%dma_start3A, %dma_start3A_60] : memref<200x128xf32, #tpu.memory_space<vmem>> -> memref<128x128xf32, #tpu.memory_space<vmem>>
      %dma_start3A_62 = arith.constant 0 : i32
      %dma_start3A_63 = tpu.memref_slice %arg6[%add3A_59, %dma_start3A_62] : memref<10496x128xf32, #tpu.memory_space<hbm>> -> memref<128x128xf32, #tpu.memory_space<hbm>>
      %dma_start3A_64 = arith.constant 0 : i32
      %dma_start3A_65 = tpu.memref_slice %arg6[%add3A_59, %dma_start3A_64] : memref<10496x128xf32, #tpu.memory_space<hbm>> -> memref<128x128xf32, #tpu.memory_space<hbm>>
      %dma_start3A_66 = arith.constant 0 : i32
      %dma_start3A_67 = arith.constant 0 : i32
      %dma_start3A_68 = tpu.memref_slice %arg8[%dma_start3A_66, %dma_start3A_67] : memref<200x128xf32, #tpu.memory_space<vmem>> -> memref<128x128xf32, #tpu.memory_space<vmem>>
      tpu.enqueue_dma source(%dma_start3A_68 : memref<128x128xf32, #tpu.memory_space<vmem>>) target(%dma_start3A_65 : memref<128x128xf32, #tpu.memory_space<hbm>>) target_semaphore(%run_scoped3A : memref<!tpu.dma_semaphore, #tpu.memory_space<semaphore_mem>>)
      %dma_wait3A = arith.constant 0 : i32
      %dma_wait3A_69 = arith.constant 0 : i32
      %dma_wait3A_70 = tpu.memref_slice %arg8[%dma_wait3A, %dma_wait3A_69] : memref<200x128xf32, #tpu.memory_space<vmem>> -> memref<128x128xf32, #tpu.memory_space<vmem>>
      %dma_wait3A_71 = arith.constant 0 : i32
      %dma_wait3A_72 = tpu.memref_slice %arg6[%add3A_59, %dma_wait3A_71] : memref<10496x128xf32, #tpu.memory_space<hbm>> -> memref<128x128xf32, #tpu.memory_space<hbm>>
      %dma_wait3A_73 = arith.constant 0 : i32
      %dma_wait3A_74 = tpu.memref_slice %arg6[%add3A_59, %dma_wait3A_73] : memref<10496x128xf32, #tpu.memory_space<hbm>> -> memref<128x128xf32, #tpu.memory_space<hbm>>
      %dma_wait3A_75 = arith.constant 0 : i32
      %dma_wait3A_76 = arith.constant 0 : i32
      %dma_wait3A_77 = tpu.memref_slice %arg8[%dma_wait3A_75, %dma_wait3A_76] : memref<200x128xf32, #tpu.memory_space<vmem>> -> memref<128x128xf32, #tpu.memory_space<vmem>>
      tpu.wait_dma2 semaphore(%run_scoped3A : memref<!tpu.dma_semaphore, #tpu.memory_space<semaphore_mem>>) src(%dma_wait3A_77 : memref<128x128xf32, #tpu.memory_space<vmem>>) dst(%dma_wait3A_74 : memref<128x128xf32, #tpu.memory_space<hbm>>)
      tpu.yield
    }) : () -> ()
    return
  }
}

module attributes {stable_mosaic.version = 14 : i64} {
  func.func @_tc_counts(%arg0: i32, %arg1: memref<320x1000xi32, #tpu.memory_space<vmem>>, %arg2: memref<40x1000x8xi32, #tpu.memory_space<vmem>>, %arg3: memref<80x128xf32, #tpu.memory_space<vmem>>) attributes {dimension_semantics = [#tpu.dimension_semantics<arbitrary>], iteration_bounds = array<i64: 1>, scalar_prefetch = 0 : i64, scratch_operands = 0 : i64, tpu.core_type = #tpu.core_type<tc>, window_params = [{pipeline_mode = #tpu.pipeline_mode<synchronous>, transform_indices = @transform_0, window_bounds = array<i64: 320, 1000>}, {pipeline_mode = #tpu.pipeline_mode<synchronous>, transform_indices = @transform_1, window_bounds = array<i64: 40, 1000, 8>}, {pipeline_mode = #tpu.pipeline_mode<synchronous>, transform_indices = @transform_2, window_bounds = array<i64: 80, 128>}]} {
    %iota3A = tpu.iota {dimensions = array<i32: 0>} : vector<80x1xi32>
    %iota3A_0 = tpu.iota {dimensions = array<i32: 1>} : vector<1x128xi32>
    %broadcast_in_dim3A = arith.constant 0.000000e+00 : f32
    %broadcast_in_dim3A_1 = vector.broadcast %broadcast_in_dim3A : f32 to vector<80x128xf32>
    %scan3A = arith.constant 0 : i32
    %scan3A_2 = arith.constant 40 : i32
    %scan3A_3 = arith.addi %scan3A, %scan3A_2 : i32
    %scan3A_4 = arith.constant 1 : i32
    %scan3A_5 = scf.for %scan3A_9 = %scan3A to %scan3A_3 step %scan3A_4 iter_args(%scan3A_10 = %broadcast_in_dim3A_1) -> (vector<80x128xf32>)  : i32 {
      %mul3A = arith.constant 8 : i32
      %mul3A_11 = arith.muli %scan3A_9, %mul3A : i32
      %multiple_of3A = tpu.assume_multiple %mul3A_11, 8 : i32
      %get3A = arith.index_cast %multiple_of3A : i32 to index
      %get3A_12 = arith.constant 0 : index
      %get3A_13 = vector.load %arg1[%get3A, %get3A_12] : memref<320x1000xi32, #tpu.memory_space<vmem>>, vector<8x1000xi32>
      %get3A_14 = arith.index_cast %scan3A_9 : i32 to index
      %get3A_15 = arith.constant 0 : index
      %get3A_16 = arith.constant 0 : index
      %get3A_17 = vector.load %arg2[%get3A_14, %get3A_15, %get3A_16] : memref<40x1000x8xi32, #tpu.memory_space<vmem>>, vector<1x1000x8xi32>
      %get3A_18 = vector.shape_cast %get3A_17 : vector<1x1000x8xi32> to vector<1000x8xi32>
      %slice3A = vector.extract_strided_slice %get3A_13 {offsets = [0, 0], sizes = [1, 1000], strides = [1, 1]} : vector<8x1000xi32> to vector<1x1000xi32>
      %jit3A = arith.constant 128 : i32
      %div3A = vector.broadcast %jit3A : i32 to vector<1x1000xi32>
      %div3A_19 = arith.divsi %slice3A, %div3A : vector<1x1000xi32>
      %sign3A = arith.constant 0 : i32
      %sign3A_20 = vector.broadcast %sign3A : i32 to vector<1x1000xi32>
      %sign3A_21 = arith.cmpi sgt, %slice3A, %sign3A_20 : vector<1x1000xi32>
      %sign3A_22 = arith.extui %sign3A_21 : vector<1x1000xi1> to vector<1x1000xi32>
      %sign3A_23 = arith.constant 0 : i32
      %sign3A_24 = vector.broadcast %sign3A_23 : i32 to vector<1x1000xi32>
      %sign3A_25 = arith.cmpi slt, %slice3A, %sign3A_24 : vector<1x1000xi32>
      %sign3A_26 = arith.extui %sign3A_25 : vector<1x1000xi1> to vector<1x1000xi32>
      %sign3A_27 = arith.subi %sign3A_22, %sign3A_26 : vector<1x1000xi32>
      %sign3A_28 = arith.constant 0 : i32
      %sign3A_29 = arith.cmpi sgt, %jit3A, %sign3A_28 : i32
      %sign3A_30 = arith.extui %sign3A_29 : i1 to i32
      %sign3A_31 = arith.constant 0 : i32
      %sign3A_32 = arith.cmpi slt, %jit3A, %sign3A_31 : i32
      %sign3A_33 = arith.extui %sign3A_32 : i1 to i32
      %sign3A_34 = arith.subi %sign3A_30, %sign3A_33 : i32
      %ne3A = vector.broadcast %sign3A_34 : i32 to vector<1x1000xi32>
      %ne3A_35 = arith.cmpi ne, %sign3A_27, %ne3A : vector<1x1000xi32>
      %rem3A = vector.broadcast %jit3A : i32 to vector<1x1000xi32>
      %rem3A_36 = arith.remsi %slice3A, %rem3A : vector<1x1000xi32>
      %ne3A_37 = arith.constant 0 : i32
      %ne3A_38 = vector.broadcast %ne3A_37 : i32 to vector<1x1000xi32>
      %ne3A_39 = arith.cmpi ne, %rem3A_36, %ne3A_38 : vector<1x1000xi32>
      %and3A = arith.andi %ne3A_35, %ne3A_39 : vector<1x1000xi1>
      %sub3A = arith.constant 1 : i32
      %sub3A_40 = vector.broadcast %sub3A : i32 to vector<1x1000xi32>
      %sub3A_41 = arith.subi %div3A_19, %sub3A_40 : vector<1x1000xi32>
      %select_n3A = arith.select %and3A, %sub3A_41, %div3A_19 : vector<1x1000xi1>, vector<1x1000xi32>
      %slice3A_42 = vector.extract_strided_slice %get3A_18 {offsets = [0, 0], sizes = [1000, 1], strides = [1, 1]} : vector<1000x8xi32> to vector<1000x1xi32>
      %jit3A_43 = arith.constant 128 : i32
      %eq3A = arith.constant 0 : i32
      %eq3A_44 = arith.cmpi eq, %jit3A_43, %eq3A : i32
      %jit3A_45 = arith.constant 1 : i32
      %select_n3A_46 = arith.select %eq3A_44, %jit3A_45, %jit3A_43 : i32
      %rem3A_47 = vector.broadcast %select_n3A_46 : i32 to vector<1000x1xi32>
      %rem3A_48 = arith.remsi %slice3A_42, %rem3A_47 : vector<1000x1xi32>
      %ne3A_49 = arith.constant 0 : i32
      %ne3A_50 = vector.broadcast %ne3A_49 : i32 to vector<1000x1xi32>
      %ne3A_51 = arith.cmpi ne, %rem3A_48, %ne3A_50 : vector<1000x1xi32>
      %lt3A = arith.constant 0 : i32
      %lt3A_52 = vector.broadcast %lt3A : i32 to vector<1000x1xi32>
      %lt3A_53 = arith.cmpi slt, %rem3A_48, %lt3A_52 : vector<1000x1xi32>
      %lt3A_54 = arith.constant 0 : i32
      %lt3A_55 = arith.cmpi slt, %select_n3A_46, %lt3A_54 : i32
      %ne3A_56 = vector.broadcast %lt3A_55 : i1 to vector<1000x1xi1>
      %ne3A_57 = vector.broadcast %ne3A_56 : vector<1000x1xi1> to vector<1000x1xi1>
      %ne3A_58 = arith.xori %lt3A_53, %ne3A_57 : vector<1000x1xi1>
      %and3A_59 = arith.andi %ne3A_58, %ne3A_51 : vector<1000x1xi1>
      %add3A = vector.broadcast %select_n3A_46 : i32 to vector<1000x1xi32>
      %add3A_60 = arith.addi %rem3A_48, %add3A : vector<1000x1xi32>
      %select_n3A_61 = arith.select %and3A_59, %add3A_60, %rem3A_48 : vector<1000x1xi1>, vector<1000x1xi32>
      %eq3A_62 = vector.broadcast %iota3A : vector<80x1xi32> to vector<80x1000xi32>
      %eq3A_63 = vector.broadcast %select_n3A : vector<1x1000xi32> to vector<80x1000xi32>
      %eq3A_64 = arith.cmpi eq, %eq3A_62, %eq3A_63 : vector<80x1000xi32>
      %convert_element_type3A = arith.extui %eq3A_64 : vector<80x1000xi1> to vector<80x1000xi32>
      %convert_element_type3A_65 = arith.sitofp %convert_element_type3A : vector<80x1000xi32> to vector<80x1000xf32>
      %eq3A_66 = vector.broadcast %select_n3A_61 : vector<1000x1xi32> to vector<1000x128xi32>
      %eq3A_67 = vector.broadcast %iota3A_0 : vector<1x128xi32> to vector<1000x128xi32>
      %eq3A_68 = arith.cmpi eq, %eq3A_66, %eq3A_67 : vector<1000x128xi32>
      %convert_element_type3A_69 = arith.extui %eq3A_68 : vector<1000x128xi1> to vector<1000x128xi32>
      %convert_element_type3A_70 = arith.sitofp %convert_element_type3A_69 : vector<1000x128xi32> to vector<1000x128xf32>
      %dot_general3A = arith.constant dense<0.000000e+00> : vector<80x128xf32>
      %dot_general3A_71 = tpu.matmul %convert_element_type3A_65, %convert_element_type3A_70, %dot_general3A {dimension_numbers = #tpu.dot_dimension_numbers<[1], [0], [0], [1], [0, 0, 1, 1], [], []>, transpose_lhs_hint = false} : vector<80x1000xf32>, vector<1000x128xf32>, vector<80x128xf32> -> vector<80x128xf32>
      %add3A_72 = arith.addf %scan3A_10, %dot_general3A_71 : vector<80x128xf32>
      %slice3A_73 = vector.extract_strided_slice %get3A_13 {offsets = [1, 0], sizes = [1, 1000], strides = [1, 1]} : vector<8x1000xi32> to vector<1x1000xi32>
      %jit3A_74 = arith.constant 128 : i32
      %div3A_75 = vector.broadcast %jit3A_74 : i32 to vector<1x1000xi32>
      %div3A_76 = arith.divsi %slice3A_73, %div3A_75 : vector<1x1000xi32>
      %sign3A_77 = arith.constant 0 : i32
      %sign3A_78 = vector.broadcast %sign3A_77 : i32 to vector<1x1000xi32>
      %sign3A_79 = arith.cmpi sgt, %slice3A_73, %sign3A_78 : vector<1x1000xi32>
      %sign3A_80 = arith.extui %sign3A_79 : vector<1x1000xi1> to vector<1x1000xi32>
      %sign3A_81 = arith.constant 0 : i32
      %sign3A_82 = vector.broadcast %sign3A_81 : i32 to vector<1x1000xi32>
      %sign3A_83 = arith.cmpi slt, %slice3A_73, %sign3A_82 : vector<1x1000xi32>
      %sign3A_84 = arith.extui %sign3A_83 : vector<1x1000xi1> to vector<1x1000xi32>
      %sign3A_85 = arith.subi %sign3A_80, %sign3A_84 : vector<1x1000xi32>
      %sign3A_86 = arith.constant 0 : i32
      %sign3A_87 = arith.cmpi sgt, %jit3A_74, %sign3A_86 : i32
      %sign3A_88 = arith.extui %sign3A_87 : i1 to i32
      %sign3A_89 = arith.constant 0 : i32
      %sign3A_90 = arith.cmpi slt, %jit3A_74, %sign3A_89 : i32
      %sign3A_91 = arith.extui %sign3A_90 : i1 to i32
      %sign3A_92 = arith.subi %sign3A_88, %sign3A_91 : i32
      %ne3A_93 = vector.broadcast %sign3A_92 : i32 to vector<1x1000xi32>
      %ne3A_94 = arith.cmpi ne, %sign3A_85, %ne3A_93 : vector<1x1000xi32>
      %rem3A_95 = vector.broadcast %jit3A_74 : i32 to vector<1x1000xi32>
      %rem3A_96 = arith.remsi %slice3A_73, %rem3A_95 : vector<1x1000xi32>
      %ne3A_97 = arith.constant 0 : i32
      %ne3A_98 = vector.broadcast %ne3A_97 : i32 to vector<1x1000xi32>
      %ne3A_99 = arith.cmpi ne, %rem3A_96, %ne3A_98 : vector<1x1000xi32>
      %and3A_100 = arith.andi %ne3A_94, %ne3A_99 : vector<1x1000xi1>
      %sub3A_101 = arith.constant 1 : i32
      %sub3A_102 = vector.broadcast %sub3A_101 : i32 to vector<1x1000xi32>
      %sub3A_103 = arith.subi %div3A_76, %sub3A_102 : vector<1x1000xi32>
      %select_n3A_104 = arith.select %and3A_100, %sub3A_103, %div3A_76 : vector<1x1000xi1>, vector<1x1000xi32>
      %slice3A_105 = vector.extract_strided_slice %get3A_18 {offsets = [0, 1], sizes = [1000, 1], strides = [1, 1]} : vector<1000x8xi32> to vector<1000x1xi32>
      %jit3A_106 = arith.constant 128 : i32
      %eq3A_107 = arith.constant 0 : i32
      %eq3A_108 = arith.cmpi eq, %jit3A_106, %eq3A_107 : i32
      %jit3A_109 = arith.constant 1 : i32
      %select_n3A_110 = arith.select %eq3A_108, %jit3A_109, %jit3A_106 : i32
      %rem3A_111 = vector.broadcast %select_n3A_110 : i32 to vector<1000x1xi32>
      %rem3A_112 = arith.remsi %slice3A_105, %rem3A_111 : vector<1000x1xi32>
      %ne3A_113 = arith.constant 0 : i32
      %ne3A_114 = vector.broadcast %ne3A_113 : i32 to vector<1000x1xi32>
      %ne3A_115 = arith.cmpi ne, %rem3A_112, %ne3A_114 : vector<1000x1xi32>
      %lt3A_116 = arith.constant 0 : i32
      %lt3A_117 = vector.broadcast %lt3A_116 : i32 to vector<1000x1xi32>
      %lt3A_118 = arith.cmpi slt, %rem3A_112, %lt3A_117 : vector<1000x1xi32>
      %lt3A_119 = arith.constant 0 : i32
      %lt3A_120 = arith.cmpi slt, %select_n3A_110, %lt3A_119 : i32
      %ne3A_121 = vector.broadcast %lt3A_120 : i1 to vector<1000x1xi1>
      %ne3A_122 = vector.broadcast %ne3A_121 : vector<1000x1xi1> to vector<1000x1xi1>
      %ne3A_123 = arith.xori %lt3A_118, %ne3A_122 : vector<1000x1xi1>
      %and3A_124 = arith.andi %ne3A_123, %ne3A_115 : vector<1000x1xi1>
      %add3A_125 = vector.broadcast %select_n3A_110 : i32 to vector<1000x1xi32>
      %add3A_126 = arith.addi %rem3A_112, %add3A_125 : vector<1000x1xi32>
      %select_n3A_127 = arith.select %and3A_124, %add3A_126, %rem3A_112 : vector<1000x1xi1>, vector<1000x1xi32>
      %eq3A_128 = vector.broadcast %iota3A : vector<80x1xi32> to vector<80x1000xi32>
      %eq3A_129 = vector.broadcast %select_n3A_104 : vector<1x1000xi32> to vector<80x1000xi32>
      %eq3A_130 = arith.cmpi eq, %eq3A_128, %eq3A_129 : vector<80x1000xi32>
      %convert_element_type3A_131 = arith.extui %eq3A_130 : vector<80x1000xi1> to vector<80x1000xi32>
      %convert_element_type3A_132 = arith.sitofp %convert_element_type3A_131 : vector<80x1000xi32> to vector<80x1000xf32>
      %eq3A_133 = vector.broadcast %select_n3A_127 : vector<1000x1xi32> to vector<1000x128xi32>
      %eq3A_134 = vector.broadcast %iota3A_0 : vector<1x128xi32> to vector<1000x128xi32>
      %eq3A_135 = arith.cmpi eq, %eq3A_133, %eq3A_134 : vector<1000x128xi32>
      %convert_element_type3A_136 = arith.extui %eq3A_135 : vector<1000x128xi1> to vector<1000x128xi32>
      %convert_element_type3A_137 = arith.sitofp %convert_element_type3A_136 : vector<1000x128xi32> to vector<1000x128xf32>
      %dot_general3A_138 = arith.constant dense<0.000000e+00> : vector<80x128xf32>
      %dot_general3A_139 = tpu.matmul %convert_element_type3A_132, %convert_element_type3A_137, %dot_general3A_138 {dimension_numbers = #tpu.dot_dimension_numbers<[1], [0], [0], [1], [0, 0, 1, 1], [], []>, transpose_lhs_hint = false} : vector<80x1000xf32>, vector<1000x128xf32>, vector<80x128xf32> -> vector<80x128xf32>
      %add3A_140 = arith.addf %add3A_72, %dot_general3A_139 : vector<80x128xf32>
      %slice3A_141 = vector.extract_strided_slice %get3A_13 {offsets = [2, 0], sizes = [1, 1000], strides = [1, 1]} : vector<8x1000xi32> to vector<1x1000xi32>
      %jit3A_142 = arith.constant 128 : i32
      %div3A_143 = vector.broadcast %jit3A_142 : i32 to vector<1x1000xi32>
      %div3A_144 = arith.divsi %slice3A_141, %div3A_143 : vector<1x1000xi32>
      %sign3A_145 = arith.constant 0 : i32
      %sign3A_146 = vector.broadcast %sign3A_145 : i32 to vector<1x1000xi32>
      %sign3A_147 = arith.cmpi sgt, %slice3A_141, %sign3A_146 : vector<1x1000xi32>
      %sign3A_148 = arith.extui %sign3A_147 : vector<1x1000xi1> to vector<1x1000xi32>
      %sign3A_149 = arith.constant 0 : i32
      %sign3A_150 = vector.broadcast %sign3A_149 : i32 to vector<1x1000xi32>
      %sign3A_151 = arith.cmpi slt, %slice3A_141, %sign3A_150 : vector<1x1000xi32>
      %sign3A_152 = arith.extui %sign3A_151 : vector<1x1000xi1> to vector<1x1000xi32>
      %sign3A_153 = arith.subi %sign3A_148, %sign3A_152 : vector<1x1000xi32>
      %sign3A_154 = arith.constant 0 : i32
      %sign3A_155 = arith.cmpi sgt, %jit3A_142, %sign3A_154 : i32
      %sign3A_156 = arith.extui %sign3A_155 : i1 to i32
      %sign3A_157 = arith.constant 0 : i32
      %sign3A_158 = arith.cmpi slt, %jit3A_142, %sign3A_157 : i32
      %sign3A_159 = arith.extui %sign3A_158 : i1 to i32
      %sign3A_160 = arith.subi %sign3A_156, %sign3A_159 : i32
      %ne3A_161 = vector.broadcast %sign3A_160 : i32 to vector<1x1000xi32>
      %ne3A_162 = arith.cmpi ne, %sign3A_153, %ne3A_161 : vector<1x1000xi32>
      %rem3A_163 = vector.broadcast %jit3A_142 : i32 to vector<1x1000xi32>
      %rem3A_164 = arith.remsi %slice3A_141, %rem3A_163 : vector<1x1000xi32>
      %ne3A_165 = arith.constant 0 : i32
      %ne3A_166 = vector.broadcast %ne3A_165 : i32 to vector<1x1000xi32>
      %ne3A_167 = arith.cmpi ne, %rem3A_164, %ne3A_166 : vector<1x1000xi32>
      %and3A_168 = arith.andi %ne3A_162, %ne3A_167 : vector<1x1000xi1>
      %sub3A_169 = arith.constant 1 : i32
      %sub3A_170 = vector.broadcast %sub3A_169 : i32 to vector<1x1000xi32>
      %sub3A_171 = arith.subi %div3A_144, %sub3A_170 : vector<1x1000xi32>
      %select_n3A_172 = arith.select %and3A_168, %sub3A_171, %div3A_144 : vector<1x1000xi1>, vector<1x1000xi32>
      %slice3A_173 = vector.extract_strided_slice %get3A_18 {offsets = [0, 2], sizes = [1000, 1], strides = [1, 1]} : vector<1000x8xi32> to vector<1000x1xi32>
      %jit3A_174 = arith.constant 128 : i32
      %eq3A_175 = arith.constant 0 : i32
      %eq3A_176 = arith.cmpi eq, %jit3A_174, %eq3A_175 : i32
      %jit3A_177 = arith.constant 1 : i32
      %select_n3A_178 = arith.select %eq3A_176, %jit3A_177, %jit3A_174 : i32
      %rem3A_179 = vector.broadcast %select_n3A_178 : i32 to vector<1000x1xi32>
      %rem3A_180 = arith.remsi %slice3A_173, %rem3A_179 : vector<1000x1xi32>
      %ne3A_181 = arith.constant 0 : i32
      %ne3A_182 = vector.broadcast %ne3A_181 : i32 to vector<1000x1xi32>
      %ne3A_183 = arith.cmpi ne, %rem3A_180, %ne3A_182 : vector<1000x1xi32>
      %lt3A_184 = arith.constant 0 : i32
      %lt3A_185 = vector.broadcast %lt3A_184 : i32 to vector<1000x1xi32>
      %lt3A_186 = arith.cmpi slt, %rem3A_180, %lt3A_185 : vector<1000x1xi32>
      %lt3A_187 = arith.constant 0 : i32
      %lt3A_188 = arith.cmpi slt, %select_n3A_178, %lt3A_187 : i32
      %ne3A_189 = vector.broadcast %lt3A_188 : i1 to vector<1000x1xi1>
      %ne3A_190 = vector.broadcast %ne3A_189 : vector<1000x1xi1> to vector<1000x1xi1>
      %ne3A_191 = arith.xori %lt3A_186, %ne3A_190 : vector<1000x1xi1>
      %and3A_192 = arith.andi %ne3A_191, %ne3A_183 : vector<1000x1xi1>
      %add3A_193 = vector.broadcast %select_n3A_178 : i32 to vector<1000x1xi32>
      %add3A_194 = arith.addi %rem3A_180, %add3A_193 : vector<1000x1xi32>
      %select_n3A_195 = arith.select %and3A_192, %add3A_194, %rem3A_180 : vector<1000x1xi1>, vector<1000x1xi32>
      %eq3A_196 = vector.broadcast %iota3A : vector<80x1xi32> to vector<80x1000xi32>
      %eq3A_197 = vector.broadcast %select_n3A_172 : vector<1x1000xi32> to vector<80x1000xi32>
      %eq3A_198 = arith.cmpi eq, %eq3A_196, %eq3A_197 : vector<80x1000xi32>
      %convert_element_type3A_199 = arith.extui %eq3A_198 : vector<80x1000xi1> to vector<80x1000xi32>
      %convert_element_type3A_200 = arith.sitofp %convert_element_type3A_199 : vector<80x1000xi32> to vector<80x1000xf32>
      %eq3A_201 = vector.broadcast %select_n3A_195 : vector<1000x1xi32> to vector<1000x128xi32>
      %eq3A_202 = vector.broadcast %iota3A_0 : vector<1x128xi32> to vector<1000x128xi32>
      %eq3A_203 = arith.cmpi eq, %eq3A_201, %eq3A_202 : vector<1000x128xi32>
      %convert_element_type3A_204 = arith.extui %eq3A_203 : vector<1000x128xi1> to vector<1000x128xi32>
      %convert_element_type3A_205 = arith.sitofp %convert_element_type3A_204 : vector<1000x128xi32> to vector<1000x128xf32>
      %dot_general3A_206 = arith.constant dense<0.000000e+00> : vector<80x128xf32>
      %dot_general3A_207 = tpu.matmul %convert_element_type3A_200, %convert_element_type3A_205, %dot_general3A_206 {dimension_numbers = #tpu.dot_dimension_numbers<[1], [0], [0], [1], [0, 0, 1, 1], [], []>, transpose_lhs_hint = false} : vector<80x1000xf32>, vector<1000x128xf32>, vector<80x128xf32> -> vector<80x128xf32>
      %add3A_208 = arith.addf %add3A_140, %dot_general3A_207 : vector<80x128xf32>
      %slice3A_209 = vector.extract_strided_slice %get3A_13 {offsets = [3, 0], sizes = [1, 1000], strides = [1, 1]} : vector<8x1000xi32> to vector<1x1000xi32>
      %jit3A_210 = arith.constant 128 : i32
      %div3A_211 = vector.broadcast %jit3A_210 : i32 to vector<1x1000xi32>
      %div3A_212 = arith.divsi %slice3A_209, %div3A_211 : vector<1x1000xi32>
      %sign3A_213 = arith.constant 0 : i32
      %sign3A_214 = vector.broadcast %sign3A_213 : i32 to vector<1x1000xi32>
      %sign3A_215 = arith.cmpi sgt, %slice3A_209, %sign3A_214 : vector<1x1000xi32>
      %sign3A_216 = arith.extui %sign3A_215 : vector<1x1000xi1> to vector<1x1000xi32>
      %sign3A_217 = arith.constant 0 : i32
      %sign3A_218 = vector.broadcast %sign3A_217 : i32 to vector<1x1000xi32>
      %sign3A_219 = arith.cmpi slt, %slice3A_209, %sign3A_218 : vector<1x1000xi32>
      %sign3A_220 = arith.extui %sign3A_219 : vector<1x1000xi1> to vector<1x1000xi32>
      %sign3A_221 = arith.subi %sign3A_216, %sign3A_220 : vector<1x1000xi32>
      %sign3A_222 = arith.constant 0 : i32
      %sign3A_223 = arith.cmpi sgt, %jit3A_210, %sign3A_222 : i32
      %sign3A_224 = arith.extui %sign3A_223 : i1 to i32
      %sign3A_225 = arith.constant 0 : i32
      %sign3A_226 = arith.cmpi slt, %jit3A_210, %sign3A_225 : i32
      %sign3A_227 = arith.extui %sign3A_226 : i1 to i32
      %sign3A_228 = arith.subi %sign3A_224, %sign3A_227 : i32
      %ne3A_229 = vector.broadcast %sign3A_228 : i32 to vector<1x1000xi32>
      %ne3A_230 = arith.cmpi ne, %sign3A_221, %ne3A_229 : vector<1x1000xi32>
      %rem3A_231 = vector.broadcast %jit3A_210 : i32 to vector<1x1000xi32>
      %rem3A_232 = arith.remsi %slice3A_209, %rem3A_231 : vector<1x1000xi32>
      %ne3A_233 = arith.constant 0 : i32
      %ne3A_234 = vector.broadcast %ne3A_233 : i32 to vector<1x1000xi32>
      %ne3A_235 = arith.cmpi ne, %rem3A_232, %ne3A_234 : vector<1x1000xi32>
      %and3A_236 = arith.andi %ne3A_230, %ne3A_235 : vector<1x1000xi1>
      %sub3A_237 = arith.constant 1 : i32
      %sub3A_238 = vector.broadcast %sub3A_237 : i32 to vector<1x1000xi32>
      %sub3A_239 = arith.subi %div3A_212, %sub3A_238 : vector<1x1000xi32>
      %select_n3A_240 = arith.select %and3A_236, %sub3A_239, %div3A_212 : vector<1x1000xi1>, vector<1x1000xi32>
      %slice3A_241 = vector.extract_strided_slice %get3A_18 {offsets = [0, 3], sizes = [1000, 1], strides = [1, 1]} : vector<1000x8xi32> to vector<1000x1xi32>
      %jit3A_242 = arith.constant 128 : i32
      %eq3A_243 = arith.constant 0 : i32
      %eq3A_244 = arith.cmpi eq, %jit3A_242, %eq3A_243 : i32
      %jit3A_245 = arith.constant 1 : i32
      %select_n3A_246 = arith.select %eq3A_244, %jit3A_245, %jit3A_242 : i32
      %rem3A_247 = vector.broadcast %select_n3A_246 : i32 to vector<1000x1xi32>
      %rem3A_248 = arith.remsi %slice3A_241, %rem3A_247 : vector<1000x1xi32>
      %ne3A_249 = arith.constant 0 : i32
      %ne3A_250 = vector.broadcast %ne3A_249 : i32 to vector<1000x1xi32>
      %ne3A_251 = arith.cmpi ne, %rem3A_248, %ne3A_250 : vector<1000x1xi32>
      %lt3A_252 = arith.constant 0 : i32
      %lt3A_253 = vector.broadcast %lt3A_252 : i32 to vector<1000x1xi32>
      %lt3A_254 = arith.cmpi slt, %rem3A_248, %lt3A_253 : vector<1000x1xi32>
      %lt3A_255 = arith.constant 0 : i32
      %lt3A_256 = arith.cmpi slt, %select_n3A_246, %lt3A_255 : i32
      %ne3A_257 = vector.broadcast %lt3A_256 : i1 to vector<1000x1xi1>
      %ne3A_258 = vector.broadcast %ne3A_257 : vector<1000x1xi1> to vector<1000x1xi1>
      %ne3A_259 = arith.xori %lt3A_254, %ne3A_258 : vector<1000x1xi1>
      %and3A_260 = arith.andi %ne3A_259, %ne3A_251 : vector<1000x1xi1>
      %add3A_261 = vector.broadcast %select_n3A_246 : i32 to vector<1000x1xi32>
      %add3A_262 = arith.addi %rem3A_248, %add3A_261 : vector<1000x1xi32>
      %select_n3A_263 = arith.select %and3A_260, %add3A_262, %rem3A_248 : vector<1000x1xi1>, vector<1000x1xi32>
      %eq3A_264 = vector.broadcast %iota3A : vector<80x1xi32> to vector<80x1000xi32>
      %eq3A_265 = vector.broadcast %select_n3A_240 : vector<1x1000xi32> to vector<80x1000xi32>
      %eq3A_266 = arith.cmpi eq, %eq3A_264, %eq3A_265 : vector<80x1000xi32>
      %convert_element_type3A_267 = arith.extui %eq3A_266 : vector<80x1000xi1> to vector<80x1000xi32>
      %convert_element_type3A_268 = arith.sitofp %convert_element_type3A_267 : vector<80x1000xi32> to vector<80x1000xf32>
      %eq3A_269 = vector.broadcast %select_n3A_263 : vector<1000x1xi32> to vector<1000x128xi32>
      %eq3A_270 = vector.broadcast %iota3A_0 : vector<1x128xi32> to vector<1000x128xi32>
      %eq3A_271 = arith.cmpi eq, %eq3A_269, %eq3A_270 : vector<1000x128xi32>
      %convert_element_type3A_272 = arith.extui %eq3A_271 : vector<1000x128xi1> to vector<1000x128xi32>
      %convert_element_type3A_273 = arith.sitofp %convert_element_type3A_272 : vector<1000x128xi32> to vector<1000x128xf32>
      %dot_general3A_274 = arith.constant dense<0.000000e+00> : vector<80x128xf32>
      %dot_general3A_275 = tpu.matmul %convert_element_type3A_268, %convert_element_type3A_273, %dot_general3A_274 {dimension_numbers = #tpu.dot_dimension_numbers<[1], [0], [0], [1], [0, 0, 1, 1], [], []>, transpose_lhs_hint = false} : vector<80x1000xf32>, vector<1000x128xf32>, vector<80x128xf32> -> vector<80x128xf32>
      %add3A_276 = arith.addf %add3A_208, %dot_general3A_275 : vector<80x128xf32>
      %slice3A_277 = vector.extract_strided_slice %get3A_13 {offsets = [4, 0], sizes = [1, 1000], strides = [1, 1]} : vector<8x1000xi32> to vector<1x1000xi32>
      %jit3A_278 = arith.constant 128 : i32
      %div3A_279 = vector.broadcast %jit3A_278 : i32 to vector<1x1000xi32>
      %div3A_280 = arith.divsi %slice3A_277, %div3A_279 : vector<1x1000xi32>
      %sign3A_281 = arith.constant 0 : i32
      %sign3A_282 = vector.broadcast %sign3A_281 : i32 to vector<1x1000xi32>
      %sign3A_283 = arith.cmpi sgt, %slice3A_277, %sign3A_282 : vector<1x1000xi32>
      %sign3A_284 = arith.extui %sign3A_283 : vector<1x1000xi1> to vector<1x1000xi32>
      %sign3A_285 = arith.constant 0 : i32
      %sign3A_286 = vector.broadcast %sign3A_285 : i32 to vector<1x1000xi32>
      %sign3A_287 = arith.cmpi slt, %slice3A_277, %sign3A_286 : vector<1x1000xi32>
      %sign3A_288 = arith.extui %sign3A_287 : vector<1x1000xi1> to vector<1x1000xi32>
      %sign3A_289 = arith.subi %sign3A_284, %sign3A_288 : vector<1x1000xi32>
      %sign3A_290 = arith.constant 0 : i32
      %sign3A_291 = arith.cmpi sgt, %jit3A_278, %sign3A_290 : i32
      %sign3A_292 = arith.extui %sign3A_291 : i1 to i32
      %sign3A_293 = arith.constant 0 : i32
      %sign3A_294 = arith.cmpi slt, %jit3A_278, %sign3A_293 : i32
      %sign3A_295 = arith.extui %sign3A_294 : i1 to i32
      %sign3A_296 = arith.subi %sign3A_292, %sign3A_295 : i32
      %ne3A_297 = vector.broadcast %sign3A_296 : i32 to vector<1x1000xi32>
      %ne3A_298 = arith.cmpi ne, %sign3A_289, %ne3A_297 : vector<1x1000xi32>
      %rem3A_299 = vector.broadcast %jit3A_278 : i32 to vector<1x1000xi32>
      %rem3A_300 = arith.remsi %slice3A_277, %rem3A_299 : vector<1x1000xi32>
      %ne3A_301 = arith.constant 0 : i32
      %ne3A_302 = vector.broadcast %ne3A_301 : i32 to vector<1x1000xi32>
      %ne3A_303 = arith.cmpi ne, %rem3A_300, %ne3A_302 : vector<1x1000xi32>
      %and3A_304 = arith.andi %ne3A_298, %ne3A_303 : vector<1x1000xi1>
      %sub3A_305 = arith.constant 1 : i32
      %sub3A_306 = vector.broadcast %sub3A_305 : i32 to vector<1x1000xi32>
      %sub3A_307 = arith.subi %div3A_280, %sub3A_306 : vector<1x1000xi32>
      %select_n3A_308 = arith.select %and3A_304, %sub3A_307, %div3A_280 : vector<1x1000xi1>, vector<1x1000xi32>
      %slice3A_309 = vector.extract_strided_slice %get3A_18 {offsets = [0, 4], sizes = [1000, 1], strides = [1, 1]} : vector<1000x8xi32> to vector<1000x1xi32>
      %jit3A_310 = arith.constant 128 : i32
      %eq3A_311 = arith.constant 0 : i32
      %eq3A_312 = arith.cmpi eq, %jit3A_310, %eq3A_311 : i32
      %jit3A_313 = arith.constant 1 : i32
      %select_n3A_314 = arith.select %eq3A_312, %jit3A_313, %jit3A_310 : i32
      %rem3A_315 = vector.broadcast %select_n3A_314 : i32 to vector<1000x1xi32>
      %rem3A_316 = arith.remsi %slice3A_309, %rem3A_315 : vector<1000x1xi32>
      %ne3A_317 = arith.constant 0 : i32
      %ne3A_318 = vector.broadcast %ne3A_317 : i32 to vector<1000x1xi32>
      %ne3A_319 = arith.cmpi ne, %rem3A_316, %ne3A_318 : vector<1000x1xi32>
      %lt3A_320 = arith.constant 0 : i32
      %lt3A_321 = vector.broadcast %lt3A_320 : i32 to vector<1000x1xi32>
      %lt3A_322 = arith.cmpi slt, %rem3A_316, %lt3A_321 : vector<1000x1xi32>
      %lt3A_323 = arith.constant 0 : i32
      %lt3A_324 = arith.cmpi slt, %select_n3A_314, %lt3A_323 : i32
      %ne3A_325 = vector.broadcast %lt3A_324 : i1 to vector<1000x1xi1>
      %ne3A_326 = vector.broadcast %ne3A_325 : vector<1000x1xi1> to vector<1000x1xi1>
      %ne3A_327 = arith.xori %lt3A_322, %ne3A_326 : vector<1000x1xi1>
      %and3A_328 = arith.andi %ne3A_327, %ne3A_319 : vector<1000x1xi1>
      %add3A_329 = vector.broadcast %select_n3A_314 : i32 to vector<1000x1xi32>
      %add3A_330 = arith.addi %rem3A_316, %add3A_329 : vector<1000x1xi32>
      %select_n3A_331 = arith.select %and3A_328, %add3A_330, %rem3A_316 : vector<1000x1xi1>, vector<1000x1xi32>
      %eq3A_332 = vector.broadcast %iota3A : vector<80x1xi32> to vector<80x1000xi32>
      %eq3A_333 = vector.broadcast %select_n3A_308 : vector<1x1000xi32> to vector<80x1000xi32>
      %eq3A_334 = arith.cmpi eq, %eq3A_332, %eq3A_333 : vector<80x1000xi32>
      %convert_element_type3A_335 = arith.extui %eq3A_334 : vector<80x1000xi1> to vector<80x1000xi32>
      %convert_element_type3A_336 = arith.sitofp %convert_element_type3A_335 : vector<80x1000xi32> to vector<80x1000xf32>
      %eq3A_337 = vector.broadcast %select_n3A_331 : vector<1000x1xi32> to vector<1000x128xi32>
      %eq3A_338 = vector.broadcast %iota3A_0 : vector<1x128xi32> to vector<1000x128xi32>
      %eq3A_339 = arith.cmpi eq, %eq3A_337, %eq3A_338 : vector<1000x128xi32>
      %convert_element_type3A_340 = arith.extui %eq3A_339 : vector<1000x128xi1> to vector<1000x128xi32>
      %convert_element_type3A_341 = arith.sitofp %convert_element_type3A_340 : vector<1000x128xi32> to vector<1000x128xf32>
      %dot_general3A_342 = arith.constant dense<0.000000e+00> : vector<80x128xf32>
      %dot_general3A_343 = tpu.matmul %convert_element_type3A_336, %convert_element_type3A_341, %dot_general3A_342 {dimension_numbers = #tpu.dot_dimension_numbers<[1], [0], [0], [1], [0, 0, 1, 1], [], []>, transpose_lhs_hint = false} : vector<80x1000xf32>, vector<1000x128xf32>, vector<80x128xf32> -> vector<80x128xf32>
      %add3A_344 = arith.addf %add3A_276, %dot_general3A_343 : vector<80x128xf32>
      %slice3A_345 = vector.extract_strided_slice %get3A_13 {offsets = [5, 0], sizes = [1, 1000], strides = [1, 1]} : vector<8x1000xi32> to vector<1x1000xi32>
      %jit3A_346 = arith.constant 128 : i32
      %div3A_347 = vector.broadcast %jit3A_346 : i32 to vector<1x1000xi32>
      %div3A_348 = arith.divsi %slice3A_345, %div3A_347 : vector<1x1000xi32>
      %sign3A_349 = arith.constant 0 : i32
      %sign3A_350 = vector.broadcast %sign3A_349 : i32 to vector<1x1000xi32>
      %sign3A_351 = arith.cmpi sgt, %slice3A_345, %sign3A_350 : vector<1x1000xi32>
      %sign3A_352 = arith.extui %sign3A_351 : vector<1x1000xi1> to vector<1x1000xi32>
      %sign3A_353 = arith.constant 0 : i32
      %sign3A_354 = vector.broadcast %sign3A_353 : i32 to vector<1x1000xi32>
      %sign3A_355 = arith.cmpi slt, %slice3A_345, %sign3A_354 : vector<1x1000xi32>
      %sign3A_356 = arith.extui %sign3A_355 : vector<1x1000xi1> to vector<1x1000xi32>
      %sign3A_357 = arith.subi %sign3A_352, %sign3A_356 : vector<1x1000xi32>
      %sign3A_358 = arith.constant 0 : i32
      %sign3A_359 = arith.cmpi sgt, %jit3A_346, %sign3A_358 : i32
      %sign3A_360 = arith.extui %sign3A_359 : i1 to i32
      %sign3A_361 = arith.constant 0 : i32
      %sign3A_362 = arith.cmpi slt, %jit3A_346, %sign3A_361 : i32
      %sign3A_363 = arith.extui %sign3A_362 : i1 to i32
      %sign3A_364 = arith.subi %sign3A_360, %sign3A_363 : i32
      %ne3A_365 = vector.broadcast %sign3A_364 : i32 to vector<1x1000xi32>
      %ne3A_366 = arith.cmpi ne, %sign3A_357, %ne3A_365 : vector<1x1000xi32>
      %rem3A_367 = vector.broadcast %jit3A_346 : i32 to vector<1x1000xi32>
      %rem3A_368 = arith.remsi %slice3A_345, %rem3A_367 : vector<1x1000xi32>
      %ne3A_369 = arith.constant 0 : i32
      %ne3A_370 = vector.broadcast %ne3A_369 : i32 to vector<1x1000xi32>
      %ne3A_371 = arith.cmpi ne, %rem3A_368, %ne3A_370 : vector<1x1000xi32>
      %and3A_372 = arith.andi %ne3A_366, %ne3A_371 : vector<1x1000xi1>
      %sub3A_373 = arith.constant 1 : i32
      %sub3A_374 = vector.broadcast %sub3A_373 : i32 to vector<1x1000xi32>
      %sub3A_375 = arith.subi %div3A_348, %sub3A_374 : vector<1x1000xi32>
      %select_n3A_376 = arith.select %and3A_372, %sub3A_375, %div3A_348 : vector<1x1000xi1>, vector<1x1000xi32>
      %slice3A_377 = vector.extract_strided_slice %get3A_18 {offsets = [0, 5], sizes = [1000, 1], strides = [1, 1]} : vector<1000x8xi32> to vector<1000x1xi32>
      %jit3A_378 = arith.constant 128 : i32
      %eq3A_379 = arith.constant 0 : i32
      %eq3A_380 = arith.cmpi eq, %jit3A_378, %eq3A_379 : i32
      %jit3A_381 = arith.constant 1 : i32
      %select_n3A_382 = arith.select %eq3A_380, %jit3A_381, %jit3A_378 : i32
      %rem3A_383 = vector.broadcast %select_n3A_382 : i32 to vector<1000x1xi32>
      %rem3A_384 = arith.remsi %slice3A_377, %rem3A_383 : vector<1000x1xi32>
      %ne3A_385 = arith.constant 0 : i32
      %ne3A_386 = vector.broadcast %ne3A_385 : i32 to vector<1000x1xi32>
      %ne3A_387 = arith.cmpi ne, %rem3A_384, %ne3A_386 : vector<1000x1xi32>
      %lt3A_388 = arith.constant 0 : i32
      %lt3A_389 = vector.broadcast %lt3A_388 : i32 to vector<1000x1xi32>
      %lt3A_390 = arith.cmpi slt, %rem3A_384, %lt3A_389 : vector<1000x1xi32>
      %lt3A_391 = arith.constant 0 : i32
      %lt3A_392 = arith.cmpi slt, %select_n3A_382, %lt3A_391 : i32
      %ne3A_393 = vector.broadcast %lt3A_392 : i1 to vector<1000x1xi1>
      %ne3A_394 = vector.broadcast %ne3A_393 : vector<1000x1xi1> to vector<1000x1xi1>
      %ne3A_395 = arith.xori %lt3A_390, %ne3A_394 : vector<1000x1xi1>
      %and3A_396 = arith.andi %ne3A_395, %ne3A_387 : vector<1000x1xi1>
      %add3A_397 = vector.broadcast %select_n3A_382 : i32 to vector<1000x1xi32>
      %add3A_398 = arith.addi %rem3A_384, %add3A_397 : vector<1000x1xi32>
      %select_n3A_399 = arith.select %and3A_396, %add3A_398, %rem3A_384 : vector<1000x1xi1>, vector<1000x1xi32>
      %eq3A_400 = vector.broadcast %iota3A : vector<80x1xi32> to vector<80x1000xi32>
      %eq3A_401 = vector.broadcast %select_n3A_376 : vector<1x1000xi32> to vector<80x1000xi32>
      %eq3A_402 = arith.cmpi eq, %eq3A_400, %eq3A_401 : vector<80x1000xi32>
      %convert_element_type3A_403 = arith.extui %eq3A_402 : vector<80x1000xi1> to vector<80x1000xi32>
      %convert_element_type3A_404 = arith.sitofp %convert_element_type3A_403 : vector<80x1000xi32> to vector<80x1000xf32>
      %eq3A_405 = vector.broadcast %select_n3A_399 : vector<1000x1xi32> to vector<1000x128xi32>
      %eq3A_406 = vector.broadcast %iota3A_0 : vector<1x128xi32> to vector<1000x128xi32>
      %eq3A_407 = arith.cmpi eq, %eq3A_405, %eq3A_406 : vector<1000x128xi32>
      %convert_element_type3A_408 = arith.extui %eq3A_407 : vector<1000x128xi1> to vector<1000x128xi32>
      %convert_element_type3A_409 = arith.sitofp %convert_element_type3A_408 : vector<1000x128xi32> to vector<1000x128xf32>
      %dot_general3A_410 = arith.constant dense<0.000000e+00> : vector<80x128xf32>
      %dot_general3A_411 = tpu.matmul %convert_element_type3A_404, %convert_element_type3A_409, %dot_general3A_410 {dimension_numbers = #tpu.dot_dimension_numbers<[1], [0], [0], [1], [0, 0, 1, 1], [], []>, transpose_lhs_hint = false} : vector<80x1000xf32>, vector<1000x128xf32>, vector<80x128xf32> -> vector<80x128xf32>
      %add3A_412 = arith.addf %add3A_344, %dot_general3A_411 : vector<80x128xf32>
      %slice3A_413 = vector.extract_strided_slice %get3A_13 {offsets = [6, 0], sizes = [1, 1000], strides = [1, 1]} : vector<8x1000xi32> to vector<1x1000xi32>
      %jit3A_414 = arith.constant 128 : i32
      %div3A_415 = vector.broadcast %jit3A_414 : i32 to vector<1x1000xi32>
      %div3A_416 = arith.divsi %slice3A_413, %div3A_415 : vector<1x1000xi32>
      %sign3A_417 = arith.constant 0 : i32
      %sign3A_418 = vector.broadcast %sign3A_417 : i32 to vector<1x1000xi32>
      %sign3A_419 = arith.cmpi sgt, %slice3A_413, %sign3A_418 : vector<1x1000xi32>
      %sign3A_420 = arith.extui %sign3A_419 : vector<1x1000xi1> to vector<1x1000xi32>
      %sign3A_421 = arith.constant 0 : i32
      %sign3A_422 = vector.broadcast %sign3A_421 : i32 to vector<1x1000xi32>
      %sign3A_423 = arith.cmpi slt, %slice3A_413, %sign3A_422 : vector<1x1000xi32>
      %sign3A_424 = arith.extui %sign3A_423 : vector<1x1000xi1> to vector<1x1000xi32>
      %sign3A_425 = arith.subi %sign3A_420, %sign3A_424 : vector<1x1000xi32>
      %sign3A_426 = arith.constant 0 : i32
      %sign3A_427 = arith.cmpi sgt, %jit3A_414, %sign3A_426 : i32
      %sign3A_428 = arith.extui %sign3A_427 : i1 to i32
      %sign3A_429 = arith.constant 0 : i32
      %sign3A_430 = arith.cmpi slt, %jit3A_414, %sign3A_429 : i32
      %sign3A_431 = arith.extui %sign3A_430 : i1 to i32
      %sign3A_432 = arith.subi %sign3A_428, %sign3A_431 : i32
      %ne3A_433 = vector.broadcast %sign3A_432 : i32 to vector<1x1000xi32>
      %ne3A_434 = arith.cmpi ne, %sign3A_425, %ne3A_433 : vector<1x1000xi32>
      %rem3A_435 = vector.broadcast %jit3A_414 : i32 to vector<1x1000xi32>
      %rem3A_436 = arith.remsi %slice3A_413, %rem3A_435 : vector<1x1000xi32>
      %ne3A_437 = arith.constant 0 : i32
      %ne3A_438 = vector.broadcast %ne3A_437 : i32 to vector<1x1000xi32>
      %ne3A_439 = arith.cmpi ne, %rem3A_436, %ne3A_438 : vector<1x1000xi32>
      %and3A_440 = arith.andi %ne3A_434, %ne3A_439 : vector<1x1000xi1>
      %sub3A_441 = arith.constant 1 : i32
      %sub3A_442 = vector.broadcast %sub3A_441 : i32 to vector<1x1000xi32>
      %sub3A_443 = arith.subi %div3A_416, %sub3A_442 : vector<1x1000xi32>
      %select_n3A_444 = arith.select %and3A_440, %sub3A_443, %div3A_416 : vector<1x1000xi1>, vector<1x1000xi32>
      %slice3A_445 = vector.extract_strided_slice %get3A_18 {offsets = [0, 6], sizes = [1000, 1], strides = [1, 1]} : vector<1000x8xi32> to vector<1000x1xi32>
      %jit3A_446 = arith.constant 128 : i32
      %eq3A_447 = arith.constant 0 : i32
      %eq3A_448 = arith.cmpi eq, %jit3A_446, %eq3A_447 : i32
      %jit3A_449 = arith.constant 1 : i32
      %select_n3A_450 = arith.select %eq3A_448, %jit3A_449, %jit3A_446 : i32
      %rem3A_451 = vector.broadcast %select_n3A_450 : i32 to vector<1000x1xi32>
      %rem3A_452 = arith.remsi %slice3A_445, %rem3A_451 : vector<1000x1xi32>
      %ne3A_453 = arith.constant 0 : i32
      %ne3A_454 = vector.broadcast %ne3A_453 : i32 to vector<1000x1xi32>
      %ne3A_455 = arith.cmpi ne, %rem3A_452, %ne3A_454 : vector<1000x1xi32>
      %lt3A_456 = arith.constant 0 : i32
      %lt3A_457 = vector.broadcast %lt3A_456 : i32 to vector<1000x1xi32>
      %lt3A_458 = arith.cmpi slt, %rem3A_452, %lt3A_457 : vector<1000x1xi32>
      %lt3A_459 = arith.constant 0 : i32
      %lt3A_460 = arith.cmpi slt, %select_n3A_450, %lt3A_459 : i32
      %ne3A_461 = vector.broadcast %lt3A_460 : i1 to vector<1000x1xi1>
      %ne3A_462 = vector.broadcast %ne3A_461 : vector<1000x1xi1> to vector<1000x1xi1>
      %ne3A_463 = arith.xori %lt3A_458, %ne3A_462 : vector<1000x1xi1>
      %and3A_464 = arith.andi %ne3A_463, %ne3A_455 : vector<1000x1xi1>
      %add3A_465 = vector.broadcast %select_n3A_450 : i32 to vector<1000x1xi32>
      %add3A_466 = arith.addi %rem3A_452, %add3A_465 : vector<1000x1xi32>
      %select_n3A_467 = arith.select %and3A_464, %add3A_466, %rem3A_452 : vector<1000x1xi1>, vector<1000x1xi32>
      %eq3A_468 = vector.broadcast %iota3A : vector<80x1xi32> to vector<80x1000xi32>
      %eq3A_469 = vector.broadcast %select_n3A_444 : vector<1x1000xi32> to vector<80x1000xi32>
      %eq3A_470 = arith.cmpi eq, %eq3A_468, %eq3A_469 : vector<80x1000xi32>
      %convert_element_type3A_471 = arith.extui %eq3A_470 : vector<80x1000xi1> to vector<80x1000xi32>
      %convert_element_type3A_472 = arith.sitofp %convert_element_type3A_471 : vector<80x1000xi32> to vector<80x1000xf32>
      %eq3A_473 = vector.broadcast %select_n3A_467 : vector<1000x1xi32> to vector<1000x128xi32>
      %eq3A_474 = vector.broadcast %iota3A_0 : vector<1x128xi32> to vector<1000x128xi32>
      %eq3A_475 = arith.cmpi eq, %eq3A_473, %eq3A_474 : vector<1000x128xi32>
      %convert_element_type3A_476 = arith.extui %eq3A_475 : vector<1000x128xi1> to vector<1000x128xi32>
      %convert_element_type3A_477 = arith.sitofp %convert_element_type3A_476 : vector<1000x128xi32> to vector<1000x128xf32>
      %dot_general3A_478 = arith.constant dense<0.000000e+00> : vector<80x128xf32>
      %dot_general3A_479 = tpu.matmul %convert_element_type3A_472, %convert_element_type3A_477, %dot_general3A_478 {dimension_numbers = #tpu.dot_dimension_numbers<[1], [0], [0], [1], [0, 0, 1, 1], [], []>, transpose_lhs_hint = false} : vector<80x1000xf32>, vector<1000x128xf32>, vector<80x128xf32> -> vector<80x128xf32>
      %add3A_480 = arith.addf %add3A_412, %dot_general3A_479 : vector<80x128xf32>
      %slice3A_481 = vector.extract_strided_slice %get3A_13 {offsets = [7, 0], sizes = [1, 1000], strides = [1, 1]} : vector<8x1000xi32> to vector<1x1000xi32>
      %jit3A_482 = arith.constant 128 : i32
      %div3A_483 = vector.broadcast %jit3A_482 : i32 to vector<1x1000xi32>
      %div3A_484 = arith.divsi %slice3A_481, %div3A_483 : vector<1x1000xi32>
      %sign3A_485 = arith.constant 0 : i32
      %sign3A_486 = vector.broadcast %sign3A_485 : i32 to vector<1x1000xi32>
      %sign3A_487 = arith.cmpi sgt, %slice3A_481, %sign3A_486 : vector<1x1000xi32>
      %sign3A_488 = arith.extui %sign3A_487 : vector<1x1000xi1> to vector<1x1000xi32>
      %sign3A_489 = arith.constant 0 : i32
      %sign3A_490 = vector.broadcast %sign3A_489 : i32 to vector<1x1000xi32>
      %sign3A_491 = arith.cmpi slt, %slice3A_481, %sign3A_490 : vector<1x1000xi32>
      %sign3A_492 = arith.extui %sign3A_491 : vector<1x1000xi1> to vector<1x1000xi32>
      %sign3A_493 = arith.subi %sign3A_488, %sign3A_492 : vector<1x1000xi32>
      %sign3A_494 = arith.constant 0 : i32
      %sign3A_495 = arith.cmpi sgt, %jit3A_482, %sign3A_494 : i32
      %sign3A_496 = arith.extui %sign3A_495 : i1 to i32
      %sign3A_497 = arith.constant 0 : i32
      %sign3A_498 = arith.cmpi slt, %jit3A_482, %sign3A_497 : i32
      %sign3A_499 = arith.extui %sign3A_498 : i1 to i32
      %sign3A_500 = arith.subi %sign3A_496, %sign3A_499 : i32
      %ne3A_501 = vector.broadcast %sign3A_500 : i32 to vector<1x1000xi32>
      %ne3A_502 = arith.cmpi ne, %sign3A_493, %ne3A_501 : vector<1x1000xi32>
      %rem3A_503 = vector.broadcast %jit3A_482 : i32 to vector<1x1000xi32>
      %rem3A_504 = arith.remsi %slice3A_481, %rem3A_503 : vector<1x1000xi32>
      %ne3A_505 = arith.constant 0 : i32
      %ne3A_506 = vector.broadcast %ne3A_505 : i32 to vector<1x1000xi32>
      %ne3A_507 = arith.cmpi ne, %rem3A_504, %ne3A_506 : vector<1x1000xi32>
      %and3A_508 = arith.andi %ne3A_502, %ne3A_507 : vector<1x1000xi1>
      %sub3A_509 = arith.constant 1 : i32
      %sub3A_510 = vector.broadcast %sub3A_509 : i32 to vector<1x1000xi32>
      %sub3A_511 = arith.subi %div3A_484, %sub3A_510 : vector<1x1000xi32>
      %select_n3A_512 = arith.select %and3A_508, %sub3A_511, %div3A_484 : vector<1x1000xi1>, vector<1x1000xi32>
      %slice3A_513 = vector.extract_strided_slice %get3A_18 {offsets = [0, 7], sizes = [1000, 1], strides = [1, 1]} : vector<1000x8xi32> to vector<1000x1xi32>
      %jit3A_514 = arith.constant 128 : i32
      %eq3A_515 = arith.constant 0 : i32
      %eq3A_516 = arith.cmpi eq, %jit3A_514, %eq3A_515 : i32
      %jit3A_517 = arith.constant 1 : i32
      %select_n3A_518 = arith.select %eq3A_516, %jit3A_517, %jit3A_514 : i32
      %rem3A_519 = vector.broadcast %select_n3A_518 : i32 to vector<1000x1xi32>
      %rem3A_520 = arith.remsi %slice3A_513, %rem3A_519 : vector<1000x1xi32>
      %ne3A_521 = arith.constant 0 : i32
      %ne3A_522 = vector.broadcast %ne3A_521 : i32 to vector<1000x1xi32>
      %ne3A_523 = arith.cmpi ne, %rem3A_520, %ne3A_522 : vector<1000x1xi32>
      %lt3A_524 = arith.constant 0 : i32
      %lt3A_525 = vector.broadcast %lt3A_524 : i32 to vector<1000x1xi32>
      %lt3A_526 = arith.cmpi slt, %rem3A_520, %lt3A_525 : vector<1000x1xi32>
      %lt3A_527 = arith.constant 0 : i32
      %lt3A_528 = arith.cmpi slt, %select_n3A_518, %lt3A_527 : i32
      %ne3A_529 = vector.broadcast %lt3A_528 : i1 to vector<1000x1xi1>
      %ne3A_530 = vector.broadcast %ne3A_529 : vector<1000x1xi1> to vector<1000x1xi1>
      %ne3A_531 = arith.xori %lt3A_526, %ne3A_530 : vector<1000x1xi1>
      %and3A_532 = arith.andi %ne3A_531, %ne3A_523 : vector<1000x1xi1>
      %add3A_533 = vector.broadcast %select_n3A_518 : i32 to vector<1000x1xi32>
      %add3A_534 = arith.addi %rem3A_520, %add3A_533 : vector<1000x1xi32>
      %select_n3A_535 = arith.select %and3A_532, %add3A_534, %rem3A_520 : vector<1000x1xi1>, vector<1000x1xi32>
      %eq3A_536 = vector.broadcast %iota3A : vector<80x1xi32> to vector<80x1000xi32>
      %eq3A_537 = vector.broadcast %select_n3A_512 : vector<1x1000xi32> to vector<80x1000xi32>
      %eq3A_538 = arith.cmpi eq, %eq3A_536, %eq3A_537 : vector<80x1000xi32>
      %convert_element_type3A_539 = arith.extui %eq3A_538 : vector<80x1000xi1> to vector<80x1000xi32>
      %convert_element_type3A_540 = arith.sitofp %convert_element_type3A_539 : vector<80x1000xi32> to vector<80x1000xf32>
      %eq3A_541 = vector.broadcast %select_n3A_535 : vector<1000x1xi32> to vector<1000x128xi32>
      %eq3A_542 = vector.broadcast %iota3A_0 : vector<1x128xi32> to vector<1000x128xi32>
      %eq3A_543 = arith.cmpi eq, %eq3A_541, %eq3A_542 : vector<1000x128xi32>
      %convert_element_type3A_544 = arith.extui %eq3A_543 : vector<1000x128xi1> to vector<1000x128xi32>
      %convert_element_type3A_545 = arith.sitofp %convert_element_type3A_544 : vector<1000x128xi32> to vector<1000x128xf32>
      %dot_general3A_546 = arith.constant dense<0.000000e+00> : vector<80x128xf32>
      %dot_general3A_547 = tpu.matmul %convert_element_type3A_540, %convert_element_type3A_545, %dot_general3A_546 {dimension_numbers = #tpu.dot_dimension_numbers<[1], [0], [0], [1], [0, 0, 1, 1], [], []>, transpose_lhs_hint = false} : vector<80x1000xf32>, vector<1000x128xf32>, vector<80x128xf32> -> vector<80x128xf32>
      %add3A_548 = arith.addf %add3A_480, %dot_general3A_547 : vector<80x128xf32>
      scf.yield %add3A_548 : vector<80x128xf32>
    }
    %scan3A_6 = arith.constant 40 : i32
    %swap3A = arith.constant 0 : index
    %swap3A_7 = arith.constant 0 : index
    %swap3A_8 = vector.load %arg3[%swap3A, %swap3A_7] : memref<80x128xf32, #tpu.memory_space<vmem>>, vector<80x128xf32>
    tpu.vector_store %arg3[%swap3A, %swap3A_7], %scan3A_5 {strides = array<i32>} : memref<80x128xf32, #tpu.memory_space<vmem>>, vector<80x128xf32>,
    return
  }
  func.func @transform_0(%arg0: i32) -> (i32, i32) {
    %c0_i32 = arith.constant 0 : i32
    %c0_i32_0 = arith.constant 0 : i32
    %c0_i32_1 = arith.constant 0 : i32
    return %c0_i32, %c0_i32_0 : i32, i32
  }
  func.func @transform_1(%arg0: i32) -> (i32, i32, i32) {
    %c0_i32 = arith.constant 0 : i32
    %c0_i32_0 = arith.constant 0 : i32
    %c0_i32_1 = arith.constant 0 : i32
    %c0_i32_2 = arith.constant 0 : i32
    return %c0_i32, %c0_i32_0, %c0_i32_1 : i32, i32, i32
  }
  func.func @transform_2(%arg0: i32) -> (i32, i32) {
    %c0_i32 = arith.constant 0 : i32
    %c0_i32_0 = arith.constant 0 : i32
    %c0_i32_1 = arith.constant 0 : i32
    return %c0_i32, %c0_i32_0 : i32, i32
  }
}

module attributes {stable_mosaic.version = 14 : i64} {
  func.func @_tc_head(%arg0: i32, %arg1: memref<1x1024x128xf32, #tpu.memory_space<vmem>>, %arg2: memref<1024x1xf32, #tpu.memory_space<vmem>>, %arg3: memref<128x128xf32, #tpu.memory_space<vmem>>, %arg4: memref<1x128xf32, #tpu.memory_space<vmem>>, %arg5: memref<8x128xf32, #tpu.memory_space<vmem>>, %arg6: memref<1x8xf32, #tpu.memory_space<vmem>>, %arg7: memref<1024x8xf32, #tpu.memory_space<vmem>>) attributes {dimension_semantics = [#tpu.dimension_semantics<arbitrary>], iteration_bounds = array<i64: 10>, scalar_prefetch = 0 : i64, scratch_operands = 0 : i64, tpu.core_type = #tpu.core_type<tc>, window_params = [{transform_indices = @transform_0, window_bounds = array<i64: 1, 1024, 128>}, {transform_indices = @transform_1, window_bounds = array<i64: 1024, 1>}, {pipeline_mode = #tpu.pipeline_mode<synchronous>, transform_indices = @transform_2, window_bounds = array<i64: 128, 128>}, {pipeline_mode = #tpu.pipeline_mode<synchronous>, transform_indices = @transform_3, window_bounds = array<i64: 1, 128>}, {pipeline_mode = #tpu.pipeline_mode<synchronous>, transform_indices = @transform_4, window_bounds = array<i64: 8, 128>}, {pipeline_mode = #tpu.pipeline_mode<synchronous>, transform_indices = @transform_5, window_bounds = array<i64: 1, 8>}, {transform_indices = @transform_6, window_bounds = array<i64: 1024, 8>}]} {
    %get3A = arith.constant 0 : index
    %get3A_0 = arith.constant 0 : index
    %get3A_1 = vector.load %arg2[%get3A, %get3A_0] : memref<1024x1xf32, #tpu.memory_space<vmem>>, vector<1024x1xf32>
    %get3A_2 = arith.constant 0 : index
    %get3A_3 = arith.constant 0 : index
    %get3A_4 = arith.constant 0 : index
    %get3A_5 = vector.load %arg1[%get3A_2, %get3A_3, %get3A_4] : memref<1x1024x128xf32, #tpu.memory_space<vmem>>, vector<1x1024x128xf32>
    %get3A_6 = vector.shape_cast %get3A_5 : vector<1x1024x128xf32> to vector<1024x128xf32>
    %max3A = arith.constant 1.000000e+00 : f32
    %max3A_7 = vector.broadcast %max3A : f32 to vector<1024x1xf32>
    %max3A_8 = arith.maximumf %get3A_1, %max3A_7 : vector<1024x1xf32>
    %div3A = vector.broadcast %max3A_8 : vector<1024x1xf32> to vector<1024x128xf32>
    %div3A_9 = arith.divf %get3A_6, %div3A : vector<1024x128xf32>
    %get3A_10 = arith.constant 0 : index
    %get3A_11 = arith.constant 0 : index
    %get3A_12 = vector.load %arg3[%get3A_10, %get3A_11] : memref<128x128xf32, #tpu.memory_space<vmem>>, vector<128x128xf32>
    %dot_general3A = arith.constant dense<0.000000e+00> : vector<1024x128xf32>
    %dot_general3A_13 = tpu.matmul %div3A_9, %get3A_12, %dot_general3A {dimension_numbers = #tpu.dot_dimension_numbers<[1], [1], [0], [0], [0, 0, 1, 0], [], []>, transpose_lhs_hint = false} : vector<1024x128xf32>, vector<128x128xf32>, vector<1024x128xf32> -> vector<1024x128xf32>
    %get3A_14 = arith.constant 0 : index
    %get3A_15 = arith.constant 0 : index
    %get3A_16 = vector.load %arg4[%get3A_14, %get3A_15] : memref<1x128xf32, #tpu.memory_space<vmem>>, vector<1x128xf32>
    %add3A = vector.broadcast %get3A_16 : vector<1x128xf32> to vector<1024x128xf32>
    %add3A_17 = arith.addf %dot_general3A_13, %add3A : vector<1024x128xf32>
    %max3A_18 = arith.constant 0.000000e+00 : f32
    %max3A_19 = vector.broadcast %max3A_18 : f32 to vector<1024x128xf32>
    %max3A_20 = arith.maximumf %add3A_17, %max3A_19 : vector<1024x128xf32>
    %get3A_21 = arith.constant 0 : index
    %get3A_22 = arith.constant 0 : index
    %get3A_23 = vector.load %arg5[%get3A_21, %get3A_22] : memref<8x128xf32, #tpu.memory_space<vmem>>, vector<8x128xf32>
    %dot_general3A_24 = arith.constant dense<0.000000e+00> : vector<1024x8xf32>
    %dot_general3A_25 = tpu.matmul %max3A_20, %get3A_23, %dot_general3A_24 {dimension_numbers = #tpu.dot_dimension_numbers<[1], [1], [0], [0], [0, 0, 1, 0], [], []>, transpose_lhs_hint = false} : vector<1024x128xf32>, vector<8x128xf32>, vector<1024x8xf32> -> vector<1024x8xf32>
    %get3A_26 = arith.constant 0 : index
    %get3A_27 = arith.constant 0 : index
    %get3A_28 = vector.load %arg6[%get3A_26, %get3A_27] : memref<1x8xf32, #tpu.memory_space<vmem>>, vector<1x8xf32>
    %add3A_29 = vector.broadcast %get3A_28 : vector<1x8xf32> to vector<1024x8xf32>
    %add3A_30 = arith.addf %dot_general3A_25, %add3A_29 : vector<1024x8xf32>
    %max3A_31 = arith.constant 0.000000e+00 : f32
    %max3A_32 = vector.broadcast %max3A_31 : f32 to vector<1024x8xf32>
    %max3A_33 = arith.maximumf %add3A_30, %max3A_32 : vector<1024x8xf32>
    %abs3A = math.absf %add3A_30 : vector<1024x8xf32>
    %neg3A = arith.constant 0.000000e+00 : f32
    %neg3A_34 = vector.broadcast %neg3A : f32 to vector<1024x8xf32>
    %neg3A_35 = arith.subf %neg3A_34, %abs3A : vector<1024x8xf32>
    %exp3A = math.exp %neg3A_35 : vector<1024x8xf32>
    %log1p3A = math.log1p %exp3A : vector<1024x8xf32>
    %add3A_36 = arith.addf %max3A_33, %log1p3A : vector<1024x8xf32>
    %swap3A = arith.constant 0 : index
    %swap3A_37 = arith.constant 0 : index
    %swap3A_38 = vector.load %arg7[%swap3A, %swap3A_37] : memref<1024x8xf32, #tpu.memory_space<vmem>>, vector<1024x8xf32>
    tpu.vector_store %arg7[%swap3A, %swap3A_37], %add3A_36 {strides = array<i32>} : memref<1024x8xf32, #tpu.memory_space<vmem>>, vector<1024x8xf32>,
    return
  }
  func.func @transform_0(%arg0: i32) -> (i32, i32, i32) {
    %jit3A = arith.constant 5 : i32
    %div3A = arith.divsi %arg0, %jit3A : i32
    %sign3A = arith.constant 0 : i32
    %sign3A_0 = arith.cmpi sgt, %arg0, %sign3A : i32
    %sign3A_1 = arith.extui %sign3A_0 : i1 to i32
    %sign3A_2 = arith.constant 0 : i32
    %sign3A_3 = arith.cmpi slt, %arg0, %sign3A_2 : i32
    %sign3A_4 = arith.extui %sign3A_3 : i1 to i32
    %sign3A_5 = arith.subi %sign3A_1, %sign3A_4 : i32
    %sign3A_6 = arith.constant 0 : i32
    %sign3A_7 = arith.cmpi sgt, %jit3A, %sign3A_6 : i32
    %sign3A_8 = arith.extui %sign3A_7 : i1 to i32
    %sign3A_9 = arith.constant 0 : i32
    %sign3A_10 = arith.cmpi slt, %jit3A, %sign3A_9 : i32
    %sign3A_11 = arith.extui %sign3A_10 : i1 to i32
    %sign3A_12 = arith.subi %sign3A_8, %sign3A_11 : i32
    %ne3A = arith.cmpi ne, %sign3A_5, %sign3A_12 : i32
    %rem3A = arith.remsi %arg0, %jit3A : i32
    %ne3A_13 = arith.constant 0 : i32
    %ne3A_14 = arith.cmpi ne, %rem3A, %ne3A_13 : i32
    %and3A = arith.andi %ne3A, %ne3A_14 : i1
    %sub3A = arith.constant 1 : i32
    %sub3A_15 = arith.subi %div3A, %sub3A : i32
    %select_n3A = arith.select %and3A, %sub3A_15, %div3A : i32
    %jit3A_16 = arith.constant 5 : i32
    %eq3A = arith.constant 0 : i32
    %eq3A_17 = arith.cmpi eq, %jit3A_16, %eq3A : i32
    %jit3A_18 = arith.constant 1 : i32
    %select_n3A_19 = arith.select %eq3A_17, %jit3A_18, %jit3A_16 : i32
    %rem3A_20 = arith.remsi %arg0, %select_n3A_19 : i32
    %ne3A_21 = arith.constant 0 : i32
    %ne3A_22 = arith.cmpi ne, %rem3A_20, %ne3A_21 : i32
    %lt3A = arith.constant 0 : i32
    %lt3A_23 = arith.cmpi slt, %rem3A_20, %lt3A : i32
    %lt3A_24 = arith.constant 0 : i32
    %lt3A_25 = arith.cmpi slt, %select_n3A_19, %lt3A_24 : i32
    %ne3A_26 = arith.xori %lt3A_23, %lt3A_25 : i1
    %and3A_27 = arith.andi %ne3A_26, %ne3A_22 : i1
    %add3A = arith.addi %rem3A_20, %select_n3A_19 : i32
    %select_n3A_28 = arith.select %and3A_27, %add3A, %rem3A_20 : i32
    %c0_i32 = arith.constant 0 : i32
    %c0_i32_29 = arith.constant 0 : i32
    return %select_n3A, %select_n3A_28, %c0_i32 : i32, i32, i32
  }
  func.func @transform_1(%arg0: i32) -> (i32, i32) {
    %c0_i32 = arith.constant 0 : i32
    %c0_i32_0 = arith.constant 0 : i32
    return %arg0, %c0_i32 : i32, i32
  }
  func.func @transform_2(%arg0: i32) -> (i32, i32) {
    %c0_i32 = arith.constant 0 : i32
    %c0_i32_0 = arith.constant 0 : i32
    %c0_i32_1 = arith.constant 0 : i32
    return %c0_i32, %c0_i32_0 : i32, i32
  }
  func.func @transform_3(%arg0: i32) -> (i32, i32) {
    %c0_i32 = arith.constant 0 : i32
    %c0_i32_0 = arith.constant 0 : i32
    %c0_i32_1 = arith.constant 0 : i32
    return %c0_i32, %c0_i32_0 : i32, i32
  }
  func.func @transform_4(%arg0: i32) -> (i32, i32) {
    %c0_i32 = arith.constant 0 : i32
    %c0_i32_0 = arith.constant 0 : i32
    %c0_i32_1 = arith.constant 0 : i32
    return %c0_i32, %c0_i32_0 : i32, i32
  }
  func.func @transform_5(%arg0: i32) -> (i32, i32) {
    %c0_i32 = arith.constant 0 : i32
    %c0_i32_0 = arith.constant 0 : i32
    %c0_i32_1 = arith.constant 0 : i32
    return %c0_i32, %c0_i32_0 : i32, i32
  }
  func.func @transform_6(%arg0: i32) -> (i32, i32) {
    %c0_i32 = arith.constant 0 : i32
    %c0_i32_0 = arith.constant 0 : i32
    return %arg0, %c0_i32 : i32, i32
  }
}

</mosaic_0001>

<sc_bundles>
// kernel: kernel.5.cloned.1.call-start
scs
__scs_entry_jumppad:
0x0: {  	(pc) =	sbr.rel $0x88, $3  }
0x1: {  	(tag) =	ssettag $0x0;
	lr =	simm.s32 $0x1  }
0x2: {  	[smem:$0x3F9B] =	sst lr;
	_ =	strace $0xD0000000  }
0x3: {  	_ = 	snop  }
0x4: {  	_ = 	snop  }
0x5: {  	_ = 	snop  }
0x6: {  	_ = 	snop  }
0x7: {  	_ = 	snop  }
__scs_overlays_trampoline_lowered:
0x8: {  	[smem:$0x3FAA] =	sst s0  }
0x9: {  	[smem:$0x3FAB] =	sst s1  }
0xa: {  	[smem:$0x3FAC] =	sst s2  }
0xb: {  	[smem:$0x3FAD] =	sst s3  }
0xc: {  	[smem:$0x3FAE] =	sst s4  }
0xd: {  	[smem:$0x3FAF] =	sst s5  }
0xe: {  	[smem:$0x3FB0] =	sst s6  }
0xf: {  	[smem:$0x3FB1] =	sst s7  }
0x10: {  	[smem:$0x3FB2] =	sst s8  }
0x11: {  	[smem:$0x3FB3] =	sst s9;
	s0 =	simm.s32 @!p0 $0x0  }
0x12: {  	s1 =	sld [smem:$0x3F99];
	s0 =	simm.s32 @p0 $0x1  }
0x13: {  	[smem:$0x3FB4] =	sst s0;
	s0 =	simm.s32 @!p1 $0x0  }
0x14: {  	s2 =	sld [smem:$0x3F98];
	s0 =	simm.s32 @p1 $0x1  }
0x15: {  	[smem:$0x3FB5] =	sst s0;
	s0 =	simm.s32 @!p2 $0x0  }
0x16: {  	s3 =	sld [smem:$0x3FDB];
	s0 =	simm.s32 @p2 $0x1  }
0x17: {  	s4 =	simm.s32 $0x1BF5;
	[smem:$0x3FB7] =	sst s0  }
0x18: {  	s0 =	sld [smem:$0x3F9A];
	_ =	swait.ge [sflag:s4], $0x0  }
0x19: {  	s7 =	sld [smem:$0x3F9B]  }
0x1a: {  	s8 =	sadd.s32 $0xFFFFE003, lr  }
0x1b: {  	s9 =	sadd.s32 $0xFFFFFEF7, lr;
	s5 =	simm.s32 $0xFFFFFFFF;
	p2 =	slt.u32 s8, $0xFFFFF086  }
0x1c: {  	p1 =	slt.u32 s9, $0xF7A;
	s5 =	simm.s32 @!p2 $0x0  }
0x1d: {  	s5 =	simm.s32 @p1 $0x1;
	p0 =	seq.s32 s7, s2  }
0x1e: {  	s7 =	smul.u32 @!p0 $0xF7A, s2;
	p2 =	seq.s32 @!p0 s5, $0x0  }
0x1f: {  	s9 =	smul.u32 $0xF7A, s1;
	s8 =	simm.s32 @!p0 $0x1BF5;
	p2 =	por !p2, p0  }
0x20: {  	[sflag:s8] =	ssyncset.s32 @!p0 $0xFFFFF086;
	s6 =	sadd.s32 @!p0 s3, s7;
	s7 =	simm.s32 @!p0 $0x108  }
0x21: {  	s3 =	sadd.s32 s3, s9;
	s6 =	sadd.s32 @!p0 $0x88, s6;
	s7 =	simm.s32 @p2 $0x1082  }
0x22: {  	[simem:s7], [sflag:s8] =	dma.local @!p0 [hbm:s6], $0xF7A  }
0x23: {  	s9 =	sor.u32 $0xD0000000, s2;
	s6 =	simm.s32 $0x108;
	_ =	swait.ge @!p0 [sflag:s8], $0x0  }
0x24: {  	s3 =	sadd.s32 $0x88, s3;
	s6 =	simm.s32 @!p1 $0x1082;
	[sflag:s4] =	ssyncset.s32 $0xFFFFF086  }
0x25: {  	[simem:s6], [sflag:s4] =	dma.local [hbm:s3], $0xF7A  }
0x26: {  	[smem:$0x3F9B] =	sst s1;
	(tag) =	ssettag s2;
	_ =	strace s9  }
0x27: {  	s1 =	sld [smem:$0x3FAB]  }
0x28: {  	s2 =	sld [smem:$0x3FAC]  }
0x29: {  	s4 =	sld [smem:$0x3FAE]  }
0x2a: {  	p0 =	seq.s32 s5, $0x0;
	s5 =	sld [smem:$0x3FAF]  }
0x2b: {  	s6 =	sld [smem:$0x3FB0]  }
0x2c: {  	s7 =	sld [smem:$0x3FB1]  }
0x2d: {  	s3 =	simm.s32 $0x108;
	s8 =	sld [smem:$0x3FB2]  }
0x2e: {  	s3 =	simm.s32 @!p0 $0x1082;
	s9 =	sld [smem:$0x3FB3]  }
0x2f: {  	lr =	sadd.s32 s0, s3;
	s0 =	sld [smem:$0x3FAA]  }
0x30: {  	s3 =	sld [smem:$0x3FAD]  }
0x31: {  	[smem:$0x3FB6] =	sst s10  }
0x32: {  	s10 =	sld [smem:$0x3FB4];
	_ =	sdelay $0x3  }
0x33: {  	p0 =	seq.s32 s10, $0x1;
	s10 =	sld [smem:$0x3FB6];
	_ =	sdelay $0x3  }
0x34: {  	[smem:$0x3FB6] =	sst s10  }
0x35: {  	s10 =	sld [smem:$0x3FB5];
	_ =	sdelay $0x3  }
0x36: {  	p1 =	seq.s32 s10, $0x1;
	s10 =	sld [smem:$0x3FB6];
	_ =	sdelay $0x3  }
0x37: {  	[smem:$0x3FB6] =	sst s10  }
0x38: {  	s10 =	sld [smem:$0x3FB7]  }
0x39: {  	_ = 	snop;
	(pc) =	sbr.ind lr, $3  }
0x3a: {  	_ = 	snop  }
0x3b: {  	_ = 	snop  }
0x3c: {  	p2 =	seq.s32 s10, $0x1;
	s10 =	sld [smem:$0x3FB6]  }
0x3d: {  	_ =	shalt  }
0x3e: {  	_ =	shalt  }
0x3f: {  	_ =	shalt  }
0x40: {  	_ =	shalt  }
0x41: {  	_ =	shalt  }
0x42: {  	_ =	shalt  }
0x43: {  	_ =	shalt  }
0x44: {  	_ =	shalt  }
0x45: {  	_ =	shalt  }
0x46: {  	_ =	shalt  }
0x47: {  	_ =	shalt  }
0x48: {  	_ =	shalt  }
0x49: {  	_ =	shalt  }
0x4a: {  	_ =	shalt  }
0x4b: {  	_ =	shalt  }
0x4c: {  	_ =	shalt  }
0x4d: {  	_ =	shalt  }
0x4e: {  	_ =	shalt  }
0x4f: {  	_ =	shalt  }
0x50: {  	_ =	shalt  }
0x51: {  	_ =	shalt  }
0x52: {  	_ =	shalt  }
0x53: {  	_ =	shalt  }
0x54: {  	_ =	shalt  }
0x55: {  	_ =	shalt  }
0x56: {  	_ =	shalt  }
0x57: {  	_ =	shalt  }
0x58: {  	_ =	shalt  }
0x59: {  	_ =	shalt  }
0x5a: {  	_ =	shalt  }
0x5b: {  	_ =	shalt  }
0x5c: {  	_ =	shalt  }
0x5d: {  	_ =	shalt  }
0x5e: {  	_ =	shalt  }
0x5f: {  	_ =	shalt  }
0x60: {  	_ =	shalt  }
0x61: {  	_ =	shalt  }
0x62: {  	_ =	shalt  }
0x63: {  	_ =	shalt  }
0x64: {  	_ =	shalt  }
0x65: {  	_ =	shalt  }
0x66: {  	_ =	shalt  }
0x67: {  	_ =	shalt  }
0x68: {  	_ =	shalt  }
0x69: {  	_ =	shalt  }
0x6a: {  	_ =	shalt  }
0x6b: {  	_ =	shalt  }
0x6c: {  	_ =	shalt  }
0x6d: {  	_ =	shalt  }
0x6e: {  	_ =	shalt  }
0x6f: {  	_ =	shalt  }
0x70: {  	_ =	shalt  }
0x71: {  	_ =	shalt  }
0x72: {  	_ =	shalt  }
0x73: {  	_ =	shalt  }
0x74: {  	_ =	shalt  }
0x75: {  	_ =	shalt  }
0x76: {  	_ =	shalt  }
0x77: {  	_ =	shalt  }
0x78: {  	_ =	shalt  }
0x79: {  	_ =	shalt  }
0x7a: {  	_ =	shalt  }
0x7b: {  	_ =	shalt  }
0x7c: {  	_ =	shalt  }
0x7d: {  	_ =	shalt  }
0x7e: {  	_ =	shalt  }
0x7f: {  	_ =	shalt  }
0x80: {  	_ =	shalt  }
0x81: {  	_ =	shalt  }
0x82: {  	_ =	shalt  }
0x83: {  	_ =	shalt  }
0x84: {  	_ =	shalt  }
0x85: {  	_ =	shalt  }
0x86: {  	_ =	shalt  }
0x87: {  	_ =	shalt  }
.Lfunc_end0:
.L_simem_size_0:
called_computation_lowered:
.L_overlay_start_0:
0x88: {  	s2 =	sld [smem:$0x3FD9]  }
0x89: {  	s3 =	sld [smem:$0x3FFE];
	_ =	sdelay $0x1  }
0x8a: {  	s1 =	srdreg.scid  }
0x8b: {  	s0 =	sand.u32 $0x1, s1  }
0x8c: {  	s17 =	sshll.u32 s0, $0xA;
	s2 =	sadd.s32 s3, s2  }
0x8d: {  	s2 =	sadd.s32 s2, s17  }
0x8e: {  	[smem:$0x3FC2] =	sst s2  }
0x8f: {  	_ = 	snop  }
0x90: {  	s2 =	sld [smem:$0x3FC9]  }
0x91: {  	s18 =	sld [smem:$0x3FD0];
	(tm) =	ssettm $0x1  }
0x92: {  	s4 =	sld [smem:$0x3FFB];
	_ =	sdelay $0x3  }
0x93: {  	_ =	strace s4  }
0x94: {  	s4 =	sld [smem:$0x3FFC];
	_ =	sdelay $0x3  }
0x95: {  	_ =	strace s4  }
0x96: {  	s4 =	sld [smem:$0x3FFD];
	_ =	sdelay $0x3  }
0x97: {  	_ =	strace s4  }
0x98: {  	_ =	strace $0x8FFFFFFF  }
0x99: {  	s19 =	sld [smem:$0x3FDB];
	_ =	sdelay $0x1  }
0x9a: {  	s5 =	simm.s32 $_scs_section_size  }
0x9b: {  	s6 =	simm.s32 $_size__tile_overlayer_lowered;
	s7 =	simm.s32 $_tile_overlayer_lowered  }
0x9c: {  	s22 =	simm.s32 $0x1BFF;
	s21 =	sshll.u32 s7, $0x1;
	s4 =	sadd.s32 s5, s19  }
0x9d: {  	s8 =	simm.s32 $0x0;
	s20 =	sshll.u32 s6, $0x1;
	s6 =	sadd.s32 s21, s4  }
0x9e: {  	[timem:s8], [sflag:s22] =	dma.local [hbm:s6], s20  }
0x9f: {  	_ =	swait.ge [sflag:s22], s20  }
0xa0: {  	s5 =	ssub.s32 $0x0, s20;
	[sflag:s22] =	ssyncset.done $0x0  }
0xa1: {  	[sflag:s22] =	ssyncadd.s32 s5;
	_ =	sdelay $0x1  }
0xa2: {  	s23 =	simm.s32 $0x1B8B  }
0xa3: {  	_ =	swait.ge [sflag:s23], $0x1  }
0xa4: {  	[sflag:s23] =	ssyncset.done $0x0  }
0xa5: {  	s25 =	simm.s32 $0x1B8E;
	s24 =	sld [smem:$0x3FFE];
	[sflag:s23] =	ssyncadd.s32 $0xFFFFFFFF  }
0xa6: {  	s26 =	simm.s32 $execute0_lowered;
	[smem:$0x3FD2] =	sst s25  }
0xa7: {  	s6 =	sshll.u32 s26, $0x1;
	_ =	strace $0x80000046;
	[dreg:$0x1] =	wrdreg $0xFFFFFFFF  }
0xa8: {  	s28 =	simm.s32 $_size_execute0_lowered;
	s4 =	sadd.s32 s4, s6;
	[dreg:$0x0] =	wrdreg $0x0  }
0xa9: {  	s6 =	sshll.u32 s28, $0x1;
	[dreg:$0x2] =	wrdreg s4  }
0xaa: {  	[dreg:$0x3] =	wrdreg s6  }
0xab: {  	[dreg:$0x4] =	wrdreg $0xC0  }
0xac: {  	_ =	task [dreg:s8], $0x5FFFF  }
0xad: {  	[dreg:$0x1] =	wrdreg $0xFFFFFFFF  }
0xae: {  	[dreg:$0x0] =	wrdreg $0x60  }
0xaf: {  	[dreg:$0x2] =	wrdreg s2  }
0xb0: {  	[dreg:$0x3] =	wrdreg s24  }
0xb1: {  	[dreg:$0x4] =	wrdreg s18  }
0xb2: {  	[dreg:$0x5] =	wrdreg $0x131000  }
0xb3: {  	[dreg:$0x6] =	wrdreg $0x9  }
0xb4: {  	_ =	task.clear_ibuf [dreg:s8], $0x7FFFF;
	_ =	strace $0x90000046  }
0xb5: {  	s29 =	simm.s32 $0x9;
	_ =	strace $0x80000048  }
0xb6: {  	_ =	swait.ge [sflag:s29], $0x1  }
0xb7: {  	[sflag:s29] =	ssyncadd.s32 $0xFFFFFFFF  }
0xb8: {  	_ =	strace $0x90000048  }
0xb9: {  	_ =	sfence  }
0xba: {  	s30 =	sld [smem:$0x0];
	_ =	sdelay $0x2  }
0xbb: {  	s31 =	sshll.u32 s1, $0xD;
	s1 =	sshrl.u32 s1, $0x2  }
0xbc: {  	s3 =	sand.u32 $0x4000, s31;
	s1 =	sadd.s32 s1, s30  }
0xbd: {  	s0 =	sor.u32 s3, s0;
	s1 =	sshll.u32 s1, $0x11  }
0xbe: {  	s0 =	sor.u32 s1, s0  }
0xbf: {  	s0 =	sadd.s32 $0x8F2B, s0  }
0xc0: {  	[sflag:s0] =	ssyncadd.remote.s32 $0x1  }
0xc1: {  	_ =	sfence.sel $0xFFFF  }
0xc2: {  	[dreg:$0x0] =	wrdreg $0xFFFFFFFF;
	(pc) =	sbr.abs _section_cstart, $3  }
0xc3: {  	[dreg:$0x1] =	wrdreg $0xFFFFFFFF  }
0xc4: {  	_ =	task.clear_ibuf [dreg:s8], $0x2FFFF;
	_ =	strace $0x9FFFFFFF  }
0xc5: {  	(tm) =	ssettm $0x7FFFFFFF  }
tec
execute0_lowered:
.L_overlay_start_1:
0x0: {  	(tag) =	ssettag $0x1  }
0x1: {  	s1 =	rddreg [dreg:$0x0]  }
0x2: {  	s0 =	rddreg [dreg:$0x1]  }
0x3: {  	s3 =	rddreg [dreg:$0x2]  }
0x4: {  	s4 =	rddreg [dreg:$0x3]  }
0x5: {  	s10 =	stileid.u32;
	s2 =	srdreg.scid;
	s5 =	simm.s32 $0x0  }
0x6: {  	s15 =	simm.s32 $0x4;
	s16 =	simm.s32 $0x6400;
	s17 =	simm.s32 $0x13000  }
0x7: {  	s18 =	simm.s32 $0xC800;
	s19 =	simm.s32 $0x1;
	s20 =	simm.s32 $0x64  }
0x8: {  	s21 =	simm.s32 $0x3200;
	s22 =	simm.s32 $0x3;
	s23 =	simm.s32 $0x2  }
0x9: {  	s24 =	simm.s32 $0x9600;
	s25 =	simm.s32 $0x0;
	s6 =	smul.u32 $0x148, s10  }
0xa: {  	s2 =	sand.u32 $0x1, s2;
	s8 =	sshll.u32 s10, $0x5;
	s10 =	smul.u32 $0x29000, s10  }
0xb: {  	[smem:$0x7FF] =	sst s5;
	s14 =	sadd.s32 $0x1900, s1;
	s7 =	smul.u32 $0x1480, s2  }
0xc: {  	_ =	strace $0x80000047;
	s29 =	ssub.s32 $0x2, s2;
	s8 =	sadd.s32 s8, s0  }
0xd: {  	s31 =	sshll.u32 s2, $0x9;
	s2 =	smul.u32 $0xD800, s2;
	s9 =	sshrl.u32 s29, $0x1  }
.Ltmp0:
0xe: {  	s30 =	sshrl.u32 s10, $0x2;
	s6 =	sadd.s32 s6, s7;
	(pc) =	sbr.rel .LBB2_1-.Ltmp0, $4  }
0xf: {  	s13 =	ssub.s32 s29, s9;
	s7 =	sadd.s32 $0xC80, s3;
	s9 =	sadd.s32 s31, s8  }
0x10: {  	s10 =	sadd.s32 s0, s2;
	s6 =	sshll.u32 s6, $0x4;
	s9 =	sadd.s32 $0x1B000, s9  }
0x11: {  	s13 =	smax.u32 s13, $0x1;
	s12 =	sadd.s32 s6, s0;
	s6 =	sadd.s32 s30, s4  }
0x12: {  	s8 =	sadd.s32 $0x6400, s6;
	s11 =	sadd.s32 $0x1B400, s12;
	s12 =	sadd.s32 $0x1C080, s12  }
.LBB2_5:
0x13: {  	s0 =	sadd.s32 s1, s2;
	[sflag:s22] =	ssyncadd.s32 @p0 $0xFFFFCE00  }
0x14: {  	[tilespmem:s16], [sflag:$0x2] =	stream.linear.gather [hbm4b:s0+s5], $0x6400, $0x38;
	[tilespmem:$0x1D500] =	vst v63  }
0x15: {  	_ =	swait.ge [sflag:s19], $0x6400  }
0x16: {  	[sflag:s19] =	ssyncset.done $0x0  }
0x17: {  	[sflag:s19] =	ssyncadd.s32 $0xFFFF9C00  }
0x18: {  	[spmem:s4] =	stream.indirect.scatter.add.f32 [tilespmem:s5], [sflag:$0x3], $0x80, s29, s20, $0xb8;
	[tilespmem:$0x1D500] =	vst v63  }
0x19: {  	s2 =	sadd.s32 $0x80, s29  }
0x1a: {  	[spmem:s4] =	stream.indirect.scatter.add.f32 [tilespmem:s21], [sflag:$0x3], $0x80, s2, s20, $0xb8;
	[tilespmem:$0x1D500] =	vst v63  }
0x1b: {  	_ =	swait.ge [sflag:s22], $0x3200  }
0x1c: {  	[sflag:s22] =	ssyncset.done $0x0  }
0x1d: {  	[sflag:s22] =	ssyncadd.s32 $0xFFFFCE00  }
0x1e: {  	_ =	swait.ge [sflag:s22], $0x3200  }
0x1f: {  	p0 =	sge.s32 s30, s26;
	[sflag:s22] =	ssyncset.done $0x0  }
0x20: {  	s0 =	simm.s32 @!p0 $0x0;
	[sflag:s22] =	ssyncadd.s32 $0xFFFFCE00  }
0x21: {  	[tilespmem:s0], [sflag:$0x1] =	stream.linear.gather @!p0 [hbm4b:s28+s0], $0x6400, $0x38;
	[tilespmem:$0x1D500] =	vst v63  }
0x22: {  	_ =	swait.ge [sflag:s23], $0x6400  }
0x23: {  	[sflag:s23] =	ssyncset.done $0x0  }
0x24: {  	s30 =	sadd.s32 $0x100, s29;
	[sflag:s23] =	ssyncadd.s32 $0xFFFF9C00  }
0x25: {  	[spmem:s4] =	stream.indirect.scatter.add.f32 [tilespmem:s16], [sflag:$0x3], $0x80, s30, s20, $0xb8;
	[tilespmem:$0x1D500] =	vst v63  }
0x26: {  	s31 =	sadd.s32 $0x180, s29  }
0x27: {  	[spmem:s4] =	stream.indirect.scatter.add.f32 [tilespmem:s24], [sflag:$0x3], $0x80, s31, s20, $0xb8;
	[tilespmem:$0x1D500] =	vst v63  }
0x28: {  	_ =	swait.ge [sflag:s22], $0x3200  }
0x29: {  	[sflag:s22] =	ssyncset.done $0x0  }
0x2a: {  	[sflag:s22] =	ssyncadd.s32 $0xFFFFCE00  }
0x2b: {  	_ =	swait.ge [sflag:s22], $0x3200  }
0x2c: {  	[sflag:s22] =	ssyncset.done $0x0  }
0x2d: {  	[sflag:s22] =	ssyncadd.s32 $0xFFFFCE00  }
.LBB2_6:
0x2e: {  	[bflag:$0x0] =	sbarrier.arrive $0xFFFF  }
0x2f: {  	[tilespmem:s5], [sflag:$0x4] =	stream.linear.gather [spmem:s6], $0x6400, $0x38;
	[tilespmem:$0x1D500] =	vst v63  }
0x30: {  	_ =	swait.ge [sflag:s15], $0x6400  }
0x31: {  	[sflag:s15] =	ssyncset.done $0x0  }
0x32: {  	[sflag:s15] =	ssyncadd.s32 $0xFFFF9C00  }
0x33: {  	[hbm4b:s11+s5] =	stream.linear.scatter [tilespmem:s5], [sflag:$0x4], $0x6400, $0x38;
	[tilespmem:$0x1D500] =	vst v63  }
0x34: {  	_ =	swait.ge [sflag:s15], $0x6400  }
0x35: {  	[sflag:s15] =	ssyncset.done $0x0  }
0x36: {  	[sflag:s15] =	ssyncadd.s32 $0xFFFF9C00  }
0x37: {  	[tilespmem:s16], [sflag:$0x4] =	stream.linear.gather [spmem:s8], $0x4000, $0x38;
	[tilespmem:$0x1D500] =	vst v63  }
0x38: {  	s25 =	sadd.s32 $0x1, s25;
	_ =	swait.ge [sflag:s15], $0x4000  }
0x39: {  	p0 =	sne.s32 s25, s13;
	[sflag:s15] =	ssyncset.done $0x0  }
.Ltmp1:
0x3a: {  	[sflag:s15] =	ssyncadd.s32 $0xFFFFC000;
	(pc) =	sbr.rel @!p0 .LBB2_7-.Ltmp1, $4  }
0x3b: {  	[hbm4b:s12+s5] =	stream.linear.scatter [tilespmem:s16], [sflag:$0x4], $0x4000, $0x38;
	[tilespmem:$0x1D500] =	vst v63  }
0x3c: {  	_ =	swait.ge [sflag:s15], $0x4000  }
0x3d: {  	[sflag:s15] =	ssyncset.done $0x0  }
0x3e: {  	[sflag:s15] =	ssyncadd.s32 $0xFFFFC000  }
.LBB2_1:
0x3f: {  	[tilespmem:s5], [sflag:$0x4] =	stream.linear.gather [hbm4b:s3+s5], $0x6400, $0x38;
	[tilespmem:$0x1D500] =	vst v63  }
0x40: {  	_ =	swait.ge [sflag:s15], $0x6400  }
0x41: {  	[sflag:s15] =	ssyncset.done $0x0  }
0x42: {  	[sflag:s15] =	ssyncadd.s32 $0xFFFF9C00  }
0x43: {  	[spmem:s6] =	stream.linear.scatter [tilespmem:s5], [sflag:$0x4], $0x6400, $0x38;
	[tilespmem:$0x1D500] =	vst v63  }
0x44: {  	_ =	swait.ge [sflag:s15], $0x6400  }
0x45: {  	[sflag:s15] =	ssyncset.done $0x0  }
0x46: {  	[sflag:s15] =	ssyncadd.s32 $0xFFFF9C00  }
0x47: {  	[tilespmem:s16], [sflag:$0x4] =	stream.linear.gather [hbm4b:s7+s5], $0x4000, $0x38;
	[tilespmem:$0x1D500] =	vst v63  }
0x48: {  	_ =	swait.ge [sflag:s15], $0x4000  }
0x49: {  	[sflag:s15] =	ssyncset.done $0x0  }
0x4a: {  	[sflag:s15] =	ssyncadd.s32 $0xFFFFC000  }
0x4b: {  	[spmem:s8] =	stream.linear.scatter [tilespmem:s16], [sflag:$0x4], $0x4000, $0x38;
	[tilespmem:$0x1D500] =	vst v63  }
0x4c: {  	_ =	swait.ge [sflag:s15], $0x4000  }
0x4d: {  	[sflag:s15] =	ssyncset.done $0x0  }
0x4e: {  	[sflag:s15] =	ssyncadd.s32 $0xFFFFC000  }
0x4f: {  	[tilespmem:s17], [sflag:$0x4] =	stream.linear.gather [hbm4b:s9+s5], $0x100, $0x38;
	[tilespmem:$0x1D500] =	vst v63  }
0x50: {  	_ =	swait.ge [sflag:s15], $0x100  }
0x51: {  	[sflag:s15] =	ssyncset.done $0x0  }
0x52: {  	[sflag:s15] =	ssyncadd.s32 $0xFFFFFF00  }
0x53: {  	v0 =	vld [tilespmem:$0x13000]  }
0x54: {  	v1 =	vld [tilespmem:$0x13080];
	_ =	sdelay $0x3  }
0x55: {  	(xrf0) =	vmax.scan.msk.f32 $0xffff, v0  }
0x56: {  	(xrf0) =	vmax.scan.msk.f32 $0xffff, v1;
	_ =	sdelay $0x4  }
0x57: {  	v0, _, _ =	vpop (xrf0)  }
0x58: {  	(v2sf) =	vpush v0, $0xF;
	v63, _, _ =	vpop (xrf0)  }
0x59: {  	(v2sf) =	vpush v63, $0xF;
	_ =	sdelay $0xd  }
0x5a: {  	s0 =	spop (v2sf)  }
0x5b: {  	s0 =	scvt.f32.s32 s0;
	s26 =	spop (v2sf)  }
0x5c: {  	s26 =	scvt.f32.s32 s26  }
0x5d: {  	s2 =	sshll.u32 s0, $0x5  }
0x5e: {  	s2 =	sand.u32 $0x1FFFFF80, s2;
	s30 =	sand.u32 $0x1, s26  }
0x5f: {  	p0 =	slt.s32 s26, $0x1;
	s2 =	sadd.s32 s10, s2;
	p1 =	seq.s32 s30, $0x1  }
0x60: {  	[tilespmem:s18], [sflag:$0x4] =	stream.linear.gather [hbm4b:s2+s5], $0x6800, $0x38;
	[tilespmem:$0x1D500] =	vst v63  }
0x61: {  	s31 =	sshrl.u32 s26, $0x1F;
	p0 =	por !p0, !p1  }
0x62: {  	s2 =	sadd.s32 s31, s26;
	s26 =	simm.s32 $0x1;
	p0 =	por !p0, !p0  }
0x63: {  	s2 =	sshra.s32 s2, $0x1;
	s26 =	simm.s32 @!p0 $0x0  }
0x64: {  	s26 =	ssub.s32 s2, s26  }
0x65: {  	p0 =	slt.s32 s26, $0x1  }
.Ltmp2:
0x66: {  	_ =	swait.ge [sflag:s15], $0x6800;
	(pc) =	sbr.rel @p0 .LBB2_6-.Ltmp2, $3  }
0x67: {  	[sflag:s15] =	ssyncset.done $0x0  }
0x68: {  	[sflag:s15] =	ssyncadd.s32 $0xFFFF9800  }
0x69: {  	[bflag:$0x0] =	sbarrier.arrive $0xFFFF;
	_ =	sdelay $0x1  }
0x6a: {  	s2 =	smul.u32 $0x6400, s0;
	p1 =	sne.s32 s26, $0x1  }
.Ltmp3:
0x6b: {  	s29 =	simm.s32 $0x0;
	(pc) =	sbr.rel @!p1 .LBB2_5-.Ltmp3, $4  }
0x6c: {  	s31 =	smul.u32 $0xC80, s0;
	s30 =	simm.s32 $0x1;
	s28 =	sshrl.u32 s2, $0x3  }
0x6d: {  	p0 =	por $0x0, $0x0;
	s0 =	sadd.s32 $0x6400, s2;
	s28 =	sadd.s32 s1, s28  }
0x6e: {  	[tilespmem:s29], [sflag:$0x1] =	stream.linear.gather [hbm4b:s28+s29], $0x6400, $0x38;
	[tilespmem:$0x1D500] =	vst v63  }
0x6f: {  	s2 =	sshrl.u32 s0, $0x3;
	s28 =	sadd.s32 s31, s14;
	s29 =	simm.s32 $0xC800  }
0x70: {  	s2 =	sadd.s32 s1, s2  }
0x71: {  	[tilespmem:s16], [sflag:$0x2] =	stream.linear.gather [hbm4b:s2+s5], $0x6400, $0x38;
	[tilespmem:$0x1D500] =	vst v63  }
0x72: {  	_ =	swait.ge [sflag:s19], $0x6400  }
0x73: {  	[sflag:s19] =	ssyncset.done $0x0  }
0x74: {  	[sflag:s19] =	ssyncadd.s32 $0xFFFF9C00  }
0x75: {  	[spmem:s4] =	stream.indirect.scatter.add.f32 [tilespmem:s5], [sflag:$0x3], $0x80, s29, s20, $0xb8;
	[tilespmem:$0x1D500] =	vst v63  }
0x76: {  	s2 =	simm.s32 $0xC880  }
0x77: {  	[spmem:s4] =	stream.indirect.scatter.add.f32 [tilespmem:s21], [sflag:$0x3], $0x80, s2, s20, $0xb8;
	[tilespmem:$0x1D500] =	vst v63  }
0x78: {  	_ =	swait.ge [sflag:s22], $0x3200  }
0x79: {  	[sflag:s22] =	ssyncset.done $0x0  }
0x7a: {  	[sflag:s22] =	ssyncadd.s32 $0xFFFFCE00  }
0x7b: {  	_ =	swait.ge [sflag:s22], $0x3200  }
0x7c: {  	p0 =	sle.s32 s26, $0x1;
	[sflag:s22] =	ssyncset.done $0x0  }
0x7d: {  	s2 =	simm.s32 @!p0 $0x0;
	[sflag:s22] =	ssyncadd.s32 $0xFFFFCE00  }
0x7e: {  	[tilespmem:s2], [sflag:$0x1] =	stream.linear.gather @!p0 [hbm4b:s28+s2], $0x6400, $0x38;
	[tilespmem:$0x1D500] =	vst v63  }
0x7f: {  	_ =	swait.ge [sflag:s23], $0x6400  }
0x80: {  	[sflag:s23] =	ssyncset.done $0x0  }
0x81: {  	s2 =	simm.s32 $0xC900;
	[sflag:s23] =	ssyncadd.s32 $0xFFFF9C00  }
0x82: {  	[spmem:s4] =	stream.indirect.scatter.add.f32 [tilespmem:s16], [sflag:$0x3], $0x80, s2, s20, $0xb8;
	[tilespmem:$0x1D500] =	vst v63  }
0x83: {  	p1 =	sne.s32 s26, $0x2;
	s2 =	simm.s32 $0xC980  }
0x84: {  	[spmem:s4] =	stream.indirect.scatter.add.f32 [tilespmem:s24], [sflag:$0x3], $0x80, s2, s20, $0xb8;
	[tilespmem:$0x1D500] =	vst v63  }
.Ltmp4:
0x85: {  	_ =	swait.ge [sflag:s22], $0x3200;
	(pc) =	sbr.rel @!p1 .LBB2_5-.Ltmp4, $4  }
0x86: {  	s30 =	simm.s32 $0x2;
	[sflag:s22] =	ssyncset.done $0x0  }
0x87: {  	s31 =	sadd.s32 $0xC800, s0;
	s0 =	simm.s32 $0x2;
	[sflag:s22] =	ssyncadd.s32 $0xFFFFCE00  }
0x88: {  	s29 =	simm.s32 $0xCA00;
	s28 =	sadd.s32 $0x1900, s28;
	_ =	swait.ge [sflag:s22], $0x3200  }
0x89: {  	p0 =	por $0x1, $0x1;
	s2 =	sshrl.u32 s31, $0x3;
	[sflag:s22] =	ssyncset.done $0x0  }
.LBB2_4:
0x8a: {  	s0 =	sadd.s32 $0x1, s0;
	s2 =	sadd.s32 s1, s2;
	[sflag:s22] =	ssyncadd.s32 $0xFFFFCE00  }
0x8b: {  	[tilespmem:s16], [sflag:$0x2] =	stream.linear.gather [hbm4b:s2+s5], $0x6400, $0x38;
	[tilespmem:$0x1D500] =	vst v63  }
0x8c: {  	p1 =	sne.s32 s26, s0;
	_ =	swait.ge [sflag:s19], $0x6400  }
0x8d: {  	[sflag:s19] =	ssyncset.done $0x0  }
0x8e: {  	[sflag:s19] =	ssyncadd.s32 $0xFFFF9C00  }
0x8f: {  	[spmem:s4] =	stream.indirect.scatter.add.f32 [tilespmem:s5], [sflag:$0x3], $0x80, s29, s20, $0xb8;
	[tilespmem:$0x1D500] =	vst v63  }
0x90: {  	s2 =	sadd.s32 $0x80, s29  }
0x91: {  	[spmem:s4] =	stream.indirect.scatter.add.f32 [tilespmem:s21], [sflag:$0x3], $0x80, s2, s20, $0xb8;
	[tilespmem:$0x1D500] =	vst v63  }
0x92: {  	_ =	swait.ge [sflag:s22], $0x3200  }
0x93: {  	[sflag:s22] =	ssyncset.done $0x0  }
0x94: {  	[sflag:s22] =	ssyncadd.s32 $0xFFFFCE00  }
0x95: {  	_ =	swait.ge [sflag:s22], $0x3200  }
0x96: {  	p2 =	sge.s32 s30, s26;
	s30 =	smov.u32 s0;
	[sflag:s22] =	ssyncset.done $0x0  }
0x97: {  	s2 =	simm.s32 @!p2 $0x0;
	[sflag:s22] =	ssyncadd.s32 $0xFFFFCE00  }
0x98: {  	[tilespmem:s2], [sflag:$0x1] =	stream.linear.gather @!p2 [hbm4b:s28+s2], $0x6400, $0x38;
	[tilespmem:$0x1D500] =	vst v63  }
0x99: {  	_ =	swait.ge [sflag:s23], $0x6400  }
0x9a: {  	[sflag:s23] =	ssyncset.done $0x0  }
0x9b: {  	s2 =	sadd.s32 $0x100, s29;
	[sflag:s23] =	ssyncadd.s32 $0xFFFF9C00  }
0x9c: {  	[spmem:s4] =	stream.indirect.scatter.add.f32 [tilespmem:s16], [sflag:$0x3], $0x80, s2, s20, $0xb8;
	[tilespmem:$0x1D500] =	vst v63  }
0x9d: {  	s2 =	sadd.s32 $0x180, s29  }
0x9e: {  	[spmem:s4] =	stream.indirect.scatter.add.f32 [tilespmem:s24], [sflag:$0x3], $0x80, s2, s20, $0xb8;
	[tilespmem:$0x1D500] =	vst v63  }
.Ltmp5:
0x9f: {  	_ =	swait.ge [sflag:s22], $0x3200;
	(pc) =	sbr.rel @p1 .LBB2_4-.Ltmp5, $4  }
0xa0: {  	[sflag:s22] =	ssyncset.done $0x0  }
0xa1: {  	[sflag:s22] =	ssyncadd.s32 $0xFFFFCE00  }
0xa2: {  	s31 =	sadd.s32 $0xC800, s31;
	s29 =	sadd.s32 $0x200, s29;
	_ =	swait.ge [sflag:s22], $0x3200  }
0xa3: {  	s28 =	sadd.s32 $0x1900, s28;
	s2 =	sshrl.u32 s31, $0x3;
	[sflag:s22] =	ssyncset.done $0x0  }
.Ltmp6:
0xa4: {  	_ = 	snop;
	(pc) =	sbr.rel .LBB2_5-.Ltmp6, $1  }
0xa5: {  	_ =	sdelay $0x3  }
.LBB2_7:
0xa6: {  	_ =	sfence.sel $0x180000  }
0xa7: {  	[bflag:$0x0] =	sbarrier.arrive $0xFFFF  }
0xa8: {  	_ =	strace $0x90000047  }
0xa9: {  	s0 =	stileid.u32;
	[bflag:$0x2] =	sbarrier.arrive $0xFFFF  }
0xaa: {  	p0 =	sne.s32 s0, $0x0;
	s0 =	rddreg [dreg:$0x4]  }
0xab: {  	s0 =	sadd.s32 @!p0 $0x100000, s0  }
0xac: {  	[sflag:s0] =	ssyncadd.tile.s32 @!p0 $0x1;
	_ =	shalt  }
.Lfunc_end2:
_tile_overlayer_lowered:
.L_overlay_start_2:
0xad: {  	(tag) =	ssettag $0x2  }
0xae: {  	s0 =	rddreg [dreg:$0x0];
	s2 =	stileid.u32  }
0xaf: {  	s1 =	rddreg [dreg:$0x1];
	p0 =	sne.s32 s2, $0x0  }
0xb0: {  	s3 =	rddreg [dreg:$0x2];
	[bflag:$0x3] =	sbarrier.arrive $0xFFFF;
	s2 =	simm.s32 @!p0 $0x1C04  }
0xb1: {  	[timem:s3], [sflag:s2] =	dma.local @!p0 [hbm:s0], s1  }
0xb2: {  	s0 =	simm.s32 @!p0 $0x4  }
0xb3: {  	_ =	swait.ge @!p0 [sflag:s0], s1  }
0xb4: {  	s1 =	ssub.s32 @!p0 $0x0, s1;
	[sflag:s0] =	ssyncset.done @!p0 $0x0  }
0xb5: {  	[sflag:s0] =	ssyncadd.s32 @!p0 s1  }
0xb6: {  	[bflag:$0x3] =	sbarrier.arrive $0xFFFF  }
0xb7: {  	_ =	shalt  }

</sc_bundles>
